<compile_context>
chip_gen: v7x
topology: tpu7x:2x2x1
jax: 0.10.2.dev20260603
libtpu: 0.0.44.dev20260713+nightly
codegen_flags: <defaults>
</compile_context>

<pallas_src>
import functools

import jax
import jax.numpy as jnp
from jax import lax
from jax.experimental import pallas as pl
from jax.experimental.pallas import tpu as pltpu
from jax.experimental.pallas import tpu_sc as plsc

N = 500000
D = 128
Z = 87

NC = 2
NS = 16
NW = NC * NS

C = 80
N_CHUNKS = N // C
BASE_CHUNKS = N_CHUNKS // NW
EXTRA = N_CHUNKS % NW
TOTAL = BASE_CHUNKS + 1
NIDX = 4


def _table_body(ec_ref, clt_ref, emb_ref, out_ref):
    out_ref[...] = emb_ref[...] + jnp.dot(
        ec_ref[...], clt_ref[...], preferred_element_type=jnp.float32
    )


def _build_table(electron_config, clt, emb_table):
    return pl.pallas_call(
        _table_body,
        out_shape=jax.ShapeDtypeStruct((Z, D), jnp.float32),
    )(electron_config, clt, emb_table)


_mesh = plsc.VectorSubcoreMesh(core_axis_name="c", subcore_axis_name="s")


@functools.partial(
    pl.kernel,
    out_type=jax.ShapeDtypeStruct((N, D), jnp.float32),
    mesh=_mesh,
    scratch_types=[
        pltpu.VMEM((NIDX, C), jnp.int32),
        pltpu.VMEM((NIDX, C, D), jnp.float32),
        pltpu.VMEM_SHARED((Z, D), jnp.float32),
        [pltpu.SemaphoreType.DMA] * NIDX,
        [pltpu.SemaphoreType.DMA] * NIDX,
        [pltpu.SemaphoreType.DMA] * NIDX,
    ],
)
def _gather_kernel(idx_hbm, table_hbm, out_hbm, idx_v, rows_v, table_sh,
                   si, sg, sw):
    sid = lax.axis_index("s")
    wid = sid * NC + lax.axis_index("c")
    n_chunks = BASE_CHUNKS + jnp.where(wid < EXTRA, 1, 0)
    last = wid + (n_chunks - 1) * NW

    @pl.when(sid == 0)
    def _stage():
        pltpu.sync_copy(table_hbm, table_sh)

    plsc.subcore_barrier()

    def off(i):
        return jnp.minimum(wid + i * NW, last) * C

    for s in range(NIDX):
        pltpu.async_copy(idx_hbm.at[pl.ds(off(s), C)], idx_v.at[s], si[s])

    def _wait_idx(s):
        pltpu.make_async_copy(idx_hbm.at[pl.ds(0, C)], idx_v.at[s], si[s]).wait()

    def _wait_write(s):
        pltpu.make_async_copy(rows_v.at[s], out_hbm.at[pl.ds(0, C)], sw[s]).wait()

    for s in range(2):
        _wait_idx(s)
        pltpu.async_copy(table_sh.at[idx_v.at[s]], rows_v.at[s], sg[s])

    def quad(q, carry):
        for s in range(NIDX):
            i = NIDX * q + s
            nxt = (s + 2) % NIDX

            @pl.when(i + 2 < TOTAL)
            def _():
                @pl.when((q > 0) | (s >= NIDX - 2))
                def _():
                    _wait_write(nxt)

                _wait_idx(nxt)
                pltpu.async_copy(
                    table_sh.at[idx_v.at[nxt]], rows_v.at[nxt], sg[nxt]
                )

            pltpu.make_async_copy(
                table_sh.at[idx_v.at[s]], rows_v.at[s], sg[s]
            ).wait()
            pltpu.async_copy(rows_v.at[s], out_hbm.at[pl.ds(off(i), C)], sw[s])

            @pl.when(i + NIDX < TOTAL)
            def _():
                pltpu.async_copy(
                    idx_hbm.at[pl.ds(off(i + NIDX), C)], idx_v.at[s], si[s]
                )
        return carry

    lax.fori_loop(0, TOTAL // NIDX, quad, 0)

    for s in range(NIDX):
        pltpu.make_async_copy(rows_v.at[s], out_hbm.at[pl.ds(0, C)], sw[s]).wait()


def kernel(atomic_numbers, electron_config, emb_table, config_linear):
    table = _build_table(electron_config, config_linear.T, emb_table)
    return _gather_kernel(atomic_numbers.astype(jnp.int32), table)

# --- scband reference (transcript-rebuilt; emitter-appended) ---
"""Pipeline reference for scband-spooky-net-atomic-embedding-26121991094370 (READ-ONLY COPY).

The authoritative reference and input builder live on the scoring server;
editing this copy changes nothing except your own understanding.
"""

import jax, jax.numpy as jnp
import numpy as np

_EC_RAW = [[0,0,0,0,0,0,0,0,0,0,0,0,0,0,0,0,0,0,0,0],[1,1,0,0,0,0,0,0,0,0,0,0,0,0,0,0,1,0,0,0],[2,2,0,0,0,0,0,0,0,0,0,0,0,0,0,0,2,0,0,0],[3,2,1,0,0,0,0,0,0,0,0,0,0,0,0,0,1,0,0,0],[4,2,2,0,0,0,0,0,0,0,0,0,0,0,0,0,2,0,0,0],[5,2,2,1,0,0,0,0,0,0,0,0,0,0,0,0,2,1,0,0],[6,2,2,2,0,0,0,0,0,0,0,0,0,0,0,0,2,2,0,0],[7,2,2,3,0,0,0,0,0,0,0,0,0,0,0,0,2,3,0,0],[8,2,2,4,0,0,0,0,0,0,0,0,0,0,0,0,2,4,0,0],[9,2,2,5,0,0,0,0,0,0,0,0,0,0,0,0,2,5,0,0],[10,2,2,6,0,0,0,0,0,0,0,0,0,0,0,0,2,6,0,0],[11,2,2,6,1,0,0,0,0,0,0,0,0,0,0,0,1,0,0,0],[12,2,2,6,2,0,0,0,0,0,0,0,0,0,0,0,2,0,0,0],[13,2,2,6,2,1,0,0,0,0,0,0,0,0,0,0,2,1,0,0],[14,2,2,6,2,2,0,0,0,0,0,0,0,0,0,0,2,2,0,0],[15,2,2,6,2,3,0,0,0,0,0,0,0,0,0,0,2,3,0,0],[16,2,2,6,2,4,0,0,0,0,0,0,0,0,0,0,2,4,0,0],[17,2,2,6,2,5,0,0,0,0,0,0,0,0,0,0,2,5,0,0],[18,2,2,6,2,6,0,0,0,0,0,0,0,0,0,0,2,6,0,0],[19,2,2,6,2,6,1,0,0,0,0,0,0,0,0,0,1,0,0,0],[20,2,2,6,2,6,2,0,0,0,0,0,0,0,0,0,2,0,0,0],[21,2,2,6,2,6,2,1,0,0,0,0,0,0,0,0,2,0,1,0],[22,2,2,6,2,6,2,2,0,0,0,0,0,0,0,0,2,0,2,0],[23,2,2,6,2,6,2,3,0,0,0,0,0,0,0,0,2,0,3,0],[24,2,2,6,2,6,1,5,0,0,0,0,0,0,0,0,1,0,5,0],[25,2,2,6,2,6,2,5,0,0,0,0,0,0,0,0,2,0,5,0],[26,2,2,6,2,6,2,6,0,0,0,0,0,0,0,0,2,0,6,0],[27,2,2,6,2,6,2,7,0,0,0,0,0,0,0,0,2,0,7,0],[28,2,2,6,2,6,2,8,0,0,0,0,0,0,0,0,2,0,8,0],[29,2,2,6,2,6,1,10,0,0,0,0,0,0,0,0,1,0,10,0],[30,2,2,6,2,6,2,10,0,0,0,0,0,0,0,0,2,0,10,0],[31,2,2,6,2,6,2,10,1,0,0,0,0,0,0,0,2,1,10,0],[32,2,2,6,2,6,2,10,2,0,0,0,0,0,0,0,2,2,10,0],[33,2,2,6,2,6,2,10,3,0,0,0,0,0,0,0,2,3,10,0],[34,2,2,6,2,6,2,10,4,0,0,0,0,0,0,0,2,4,10,0],[35,2,2,6,2,6,2,10,5,0,0,0,0,0,0,0,2,5,10,0],[36,2,2,6,2,6,2,10,6,0,0,0,0,0,0,0,2,6,10,0],[37,2,2,6,2,6,2,10,6,1,0,0,0,0,0,0,1,0,0,0],[38,2,2,6,2,6,2,10,6,2,0,0,0,0,0,0,2,0,0,0],[39,2,2,6,2,6,2,10,6,2,1,0,0,0,0,0,2,0,1,0],[40,2,2,6,2,6,2,10,6,2,2,0,0,0,0,0,2,0,2,0],[41,2,2,6,2,6,2,10,6,1,4,0,0,0,0,0,1,0,4,0],[42,2,2,6,2,6,2,10,6,1,5,0,0,0,0,0,1,0,5,0],[43,2,2,6,2,6,2,10,6,2,5,0,0,0,0,0,2,0,5,0],[44,2,2,6,2,6,2,10,6,1,7,0,0,0,0,0,1,0,7,0],[45,2,2,6,2,6,2,10,6,1,8,0,0,0,0,0,1,0,8,0],[46,2,2,6,2,6,2,10,6,0,10,0,0,0,0,0,0,0,10,0],[47,2,2,6,2,6,2,10,6,1,10,0,0,0,0,0,1,0,10,0],[48,2,2,6,2,6,2,10,6,2,10,0,0,0,0,0,2,0,10,0],[49,2,2,6,2,6,2,10,6,2,10,1,0,0,0,0,2,1,10,0],[50,2,2,6,2,6,2,10,6,2,10,2,0,0,0,0,2,2,10,0],[51,2,2,6,2,6,2,10,6,2,10,3,0,0,0,0,2,3,10,0],[52,2,2,6,2,6,2,10,6,2,10,4,0,0,0,0,2,4,10,0],[53,2,2,6,2,6,2,10,6,2,10,5,0,0,0,0,2,5,10,0],[54,2,2,6,2,6,2,10,6,2,10,6,0,0,0,0,2,6,10,0],[55,2,2,6,2,6,2,10,6,2,10,6,1,0,0,0,1,0,0,0],[56,2,2,6,2,6,2,10,6,2,10,6,2,0,0,0,2,0,0,0],[57,2,2,6,2,6,2,10,6,2,10,6,2,0,1,0,2,0,1,0],[58,2,2,6,2,6,2,10,6,2,10,6,2,1,1,0,2,0,1,1],[59,2,2,6,2,6,2,10,6,2,10,6,2,3,0,0,2,0,0,3],[60,2,2,6,2,6,2,10,6,2,10,6,2,4,0,0,2,0,0,4],[61,2,2,6,2,6,2,10,6,2,10,6,2,5,0,0,2,0,0,5],[62,2,2,6,2,6,2,10,6,2,10,6,2,6,0,0,2,0,0,6],[63,2,2,6,2,6,2,10,6,2,10,6,2,7,0,0,2,0,0,7],[64,2,2,6,2,6,2,10,6,2,10,6,2,7,1,0,2,0,1,7],[65,2,2,6,2,6,2,10,6,2,10,6,2,9,0,0,2,0,0,9],[66,2,2,6,2,6,2,10,6,2,10,6,2,10,0,0,2,0,0,10],[67,2,2,6,2,6,2,10,6,2,10,6,2,11,0,0,2,0,0,11],[68,2,2,6,2,6,2,10,6,2,10,6,2,12,0,0,2,0,0,12],[69,2,2,6,2,6,2,10,6,2,10,6,2,13,0,0,2,0,0,13],[70,2,2,6,2,6,2,10,6,2,10,6,2,14,0,0,2,0,0,14],[71,2,2,6,2,6,2,10,6,2,10,6,2,14,1,0,2,0,1,14],[72,2,2,6,2,6,2,10,6,2,10,6,2,14,2,0,2,0,2,14],[73,2,2,6,2,6,2,10,6,2,10,6,2,14,3,0,2,0,3,14],[74,2,2,6,2,6,2,10,6,2,10,6,2,14,4,0,2,0,4,14],[75,2,2,6,2,6,2,10,6,2,10,6,2,14,5,0,2,0,5,14],[76,2,2,6,2,6,2,10,6,2,10,6,2,14,6,0,2,0,6,14],[77,2,2,6,2,6,2,10,6,2,10,6,2,14,7,0,2,0,7,14],[78,2,2,6,2,6,2,10,6,1,14,9,0,0,0,0,1,0,9,14],[79,2,2,6,2,6,2,10,6,1,14,10,0,0,0,0,1,0,10,14],[80,2,2,6,2,6,2,10,6,2,14,10,0,0,0,0,2,0,10,14],[81,2,2,6,2,6,2,10,6,2,14,10,1,0,0,0,2,1,10,14],[82,2,2,6,2,6,2,10,6,2,14,10,2,0,0,0,2,2,10,14],[83,2,2,6,2,6,2,10,6,2,14,10,3,0,0,0,2,3,10,14],[84,2,2,6,2,6,2,10,6,2,14,10,4,0,0,0,2,4,10,14],[85,2,2,6,2,6,2,10,6,2,14,10,5,0,0,0,2,5,10,14],[86,2,2,6,2,6,2,10,6,2,14,10,6,0,0,0,2,6,10,14]]

def _make_electron_config():
    ec = np.array(_EC_RAW, dtype=np.float32)
    mx = ec.max(axis=0)
    mx = np.where(mx == 0.0, 1.0, mx)
    return jnp.asarray(ec / mx)

N_ATOMS = 500000
MAX_Z = 87
D_FEAT = 128
EC_DIM = 20

def setup_inputs(seed: int = 0) -> dict:
    key = jax.random.key(seed)
    k1, k2, k3 = jax.random.split(key, 3)
    atomic_numbers = jax.random.randint(k1, (N_ATOMS,), 0, MAX_Z, dtype=jnp.int64 if jax.config.jax_enable_x64 else jnp.int32)
    emb_table = jax.random.normal(k2, (MAX_Z, D_FEAT), dtype=jnp.float32) * 0.02
    config_linear = jax.random.normal(k3, (D_FEAT, EC_DIM), dtype=jnp.float32) * 0.02
    electron_config = _make_electron_config()
    return {"atomic_numbers": atomic_numbers, "electron_config": electron_config, "emb_table": emb_table, "config_linear": config_linear}

def reference(atomic_numbers, electron_config, emb_table, config_linear):
    gathered_ec = jnp.take(electron_config, atomic_numbers, axis=0)
    config_part = jnp.einsum('fe,ne->nf', config_linear, gathered_ec)
    emb_part = jnp.take(emb_table, atomic_numbers, axis=0)
    return config_part + emb_part

if __name__ == "__main__":
    import jax
    _d = setup_inputs()
    print(jax.jit(kernel)(*tuple(_d.values())))

</pallas_src>

<mosaic_0001>
#map = affine_map<(d0, d1) -> (0)>
#map1 = affine_map<(d0, d1) -> (0, 0)>
module attributes {stable_mosaic.version = 14 : i64} {
  func.func @_gather_kernel(%arg0: i32, %arg1: i32, %arg2: memref<500000xi32, #tpu.memory_space<hbm>>, %arg3: memref<87x128xf32, #tpu.memory_space<hbm>>, %arg4: memref<500000x128xf32, #tpu.memory_space<hbm>>, %arg5: memref<4x80xi32, #tpu.memory_space<vmem>>, %arg6: memref<4x80x128xf32, #tpu.memory_space<vmem>>, %arg7: memref<87x128xf32, #tpu.memory_space<vmem_shared>>, %arg8: memref<!tpu.dma_semaphore, #tpu.memory_space<semaphore_mem>>, %arg9: memref<!tpu.dma_semaphore, #tpu.memory_space<semaphore_mem>>, %arg10: memref<!tpu.dma_semaphore, #tpu.memory_space<semaphore_mem>>, %arg11: memref<!tpu.dma_semaphore, #tpu.memory_space<semaphore_mem>>, %arg12: memref<!tpu.dma_semaphore, #tpu.memory_space<semaphore_mem>>, %arg13: memref<!tpu.dma_semaphore, #tpu.memory_space<semaphore_mem>>, %arg14: memref<!tpu.dma_semaphore, #tpu.memory_space<semaphore_mem>>, %arg15: memref<!tpu.dma_semaphore, #tpu.memory_space<semaphore_mem>>, %arg16: memref<!tpu.dma_semaphore, #tpu.memory_space<semaphore_mem>>, %arg17: memref<!tpu.dma_semaphore, #tpu.memory_space<semaphore_mem>>, %arg18: memref<!tpu.dma_semaphore, #tpu.memory_space<semaphore_mem>>, %arg19: memref<!tpu.dma_semaphore, #tpu.memory_space<semaphore_mem>>) attributes {dimension_semantics = [#tpu.dimension_semantics<core_parallel>, #tpu.dimension_semantics<subcore_parallel>], iteration_bounds = array<i64: 2, 16>, scalar_prefetch = 0 : i64, scratch_operands = 15 : i64, tpu.core_type = #tpu.core_type<sc_vector_subcore>, window_params = [{transform_indices = #map}, {transform_indices = #map1}, {transform_indices = #map1}]} {
    %mul3A = arith.constant 2 : i32
    %mul3A_0 = arith.muli %arg1, %mul3A : i32
    %add3A = arith.addi %mul3A_0, %arg0 : i32
    %lt3A = arith.constant 10 : i32
    %lt3A_1 = arith.cmpi slt, %add3A, %lt3A : i32
    %jit3A = arith.constant 1 : i32
    %jit3A_2 = arith.constant 0 : i32
    %select_n3A = arith.select %lt3A_1, %jit3A, %jit3A_2 : i32
    %add3A_3 = arith.constant 195 : i32
    %add3A_4 = arith.addi %add3A_3, %select_n3A : i32
    %sub3A = arith.constant 1 : i32
    %sub3A_5 = arith.subi %add3A_4, %sub3A : i32
    %mul3A_6 = arith.constant 32 : i32
    %mul3A_7 = arith.muli %sub3A_5, %mul3A_6 : i32
    %add3A_8 = arith.addi %add3A, %mul3A_7 : i32
    %eq3A = arith.constant 0 : i32
    %eq3A_9 = arith.cmpi eq, %arg1, %eq3A : i32
    %convert_element_type3A = arith.extui %eq3A_9 : i1 to i32
    %cond3A = arith.constant 0 : i32
    %cond3A_10 = arith.cmpi ne, %convert_element_type3A, %cond3A : i32
    scf.if %cond3A_10 {
      "tpu.region"() ({
        %run_scoped3A = tpu.sem_alloc : memref<!tpu.dma_semaphore, #tpu.memory_space<semaphore_mem>>
        tpu.enqueue_dma source(%arg3 : memref<87x128xf32, #tpu.memory_space<hbm>>) target(%arg7 : memref<87x128xf32, #tpu.memory_space<vmem_shared>>) target_semaphore(%run_scoped3A : memref<!tpu.dma_semaphore, #tpu.memory_space<semaphore_mem>>)
        tpu.wait_dma2 semaphore(%run_scoped3A : memref<!tpu.dma_semaphore, #tpu.memory_space<semaphore_mem>>) src(%arg3 : memref<87x128xf32, #tpu.memory_space<hbm>>) dst(%arg7 : memref<87x128xf32, #tpu.memory_space<vmem_shared>>)
        tpu.yield
      }) : () -> ()
    } else {
    }
    %barrier3A = arith.constant 0 : index
    tpu.barrier barrier_id(%barrier3A)
    %add3A_11 = arith.constant 0 : i32
    %add3A_12 = arith.addi %add3A, %add3A_11 : i32
    %min3A = arith.minsi %add3A_12, %add3A_8 : i32
    %mul3A_13 = arith.constant 80 : i32
    %mul3A_14 = arith.muli %min3A, %mul3A_13 : i32
    %dma_start3A = arith.constant 0 : i32
    %dma_start3A_15 = arith.constant 0 : i32
    %dma_start3A_16 = tpu.memref_slice %arg5[%dma_start3A, %dma_start3A_15] : memref<4x80xi32, #tpu.memory_space<vmem>> -> memref<1x80xi32, #tpu.memory_space<vmem>>
    %dma_start3A_17 = tpu.memref_squeeze %dma_start3A_16 : memref<1x80xi32, #tpu.memory_space<vmem>> -> memref<80xi32, #tpu.memory_space<vmem>>
    %dma_start3A_18 = tpu.memref_slice %arg2[%mul3A_14] : memref<500000xi32, #tpu.memory_space<hbm>> -> memref<80xi32, #tpu.memory_space<hbm>>
    %dma_start3A_19 = arith.constant 0 : i32
    %dma_start3A_20 = tpu.memref_slice %arg5[%dma_start3A, %dma_start3A_19] : memref<4x80xi32, #tpu.memory_space<vmem>> -> memref<1x80xi32, #tpu.memory_space<vmem>>
    %dma_start3A_21 = tpu.memref_squeeze %dma_start3A_20 : memref<1x80xi32, #tpu.memory_space<vmem>> -> memref<80xi32, #tpu.memory_space<vmem>>
    %dma_start3A_22 = tpu.memref_slice %arg2[%mul3A_14] : memref<500000xi32, #tpu.memory_space<hbm>> -> memref<80xi32, #tpu.memory_space<hbm>>
    tpu.enqueue_dma source(%dma_start3A_22 : memref<80xi32, #tpu.memory_space<hbm>>) target(%dma_start3A_21 : memref<80xi32, #tpu.memory_space<vmem>>) target_semaphore(%arg8 : memref<!tpu.dma_semaphore, #tpu.memory_space<semaphore_mem>>)
    %add3A_23 = arith.constant 32 : i32
    %add3A_24 = arith.addi %add3A, %add3A_23 : i32
    %min3A_25 = arith.minsi %add3A_24, %add3A_8 : i32
    %mul3A_26 = arith.constant 80 : i32
    %mul3A_27 = arith.muli %min3A_25, %mul3A_26 : i32
    %dma_start3A_28 = arith.constant 1 : i32
    %dma_start3A_29 = arith.constant 0 : i32
    %dma_start3A_30 = tpu.memref_slice %arg5[%dma_start3A_28, %dma_start3A_29] : memref<4x80xi32, #tpu.memory_space<vmem>> -> memref<1x80xi32, #tpu.memory_space<vmem>>
    %dma_start3A_31 = tpu.memref_squeeze %dma_start3A_30 : memref<1x80xi32, #tpu.memory_space<vmem>> -> memref<80xi32, #tpu.memory_space<vmem>>
    %dma_start3A_32 = tpu.memref_slice %arg2[%mul3A_27] : memref<500000xi32, #tpu.memory_space<hbm>> -> memref<80xi32, #tpu.memory_space<hbm>>
    %dma_start3A_33 = arith.constant 0 : i32
    %dma_start3A_34 = tpu.memref_slice %arg5[%dma_start3A_28, %dma_start3A_33] : memref<4x80xi32, #tpu.memory_space<vmem>> -> memref<1x80xi32, #tpu.memory_space<vmem>>
    %dma_start3A_35 = tpu.memref_squeeze %dma_start3A_34 : memref<1x80xi32, #tpu.memory_space<vmem>> -> memref<80xi32, #tpu.memory_space<vmem>>
    %dma_start3A_36 = tpu.memref_slice %arg2[%mul3A_27] : memref<500000xi32, #tpu.memory_space<hbm>> -> memref<80xi32, #tpu.memory_space<hbm>>
    tpu.enqueue_dma source(%dma_start3A_36 : memref<80xi32, #tpu.memory_space<hbm>>) target(%dma_start3A_35 : memref<80xi32, #tpu.memory_space<vmem>>) target_semaphore(%arg9 : memref<!tpu.dma_semaphore, #tpu.memory_space<semaphore_mem>>)
    %add3A_37 = arith.constant 64 : i32
    %add3A_38 = arith.addi %add3A, %add3A_37 : i32
    %min3A_39 = arith.minsi %add3A_38, %add3A_8 : i32
    %mul3A_40 = arith.constant 80 : i32
    %mul3A_41 = arith.muli %min3A_39, %mul3A_40 : i32
    %dma_start3A_42 = arith.constant 2 : i32
    %dma_start3A_43 = arith.constant 0 : i32
    %dma_start3A_44 = tpu.memref_slice %arg5[%dma_start3A_42, %dma_start3A_43] : memref<4x80xi32, #tpu.memory_space<vmem>> -> memref<1x80xi32, #tpu.memory_space<vmem>>
    %dma_start3A_45 = tpu.memref_squeeze %dma_start3A_44 : memref<1x80xi32, #tpu.memory_space<vmem>> -> memref<80xi32, #tpu.memory_space<vmem>>
    %dma_start3A_46 = tpu.memref_slice %arg2[%mul3A_41] : memref<500000xi32, #tpu.memory_space<hbm>> -> memref<80xi32, #tpu.memory_space<hbm>>
    %dma_start3A_47 = arith.constant 0 : i32
    %dma_start3A_48 = tpu.memref_slice %arg5[%dma_start3A_42, %dma_start3A_47] : memref<4x80xi32, #tpu.memory_space<vmem>> -> memref<1x80xi32, #tpu.memory_space<vmem>>
    %dma_start3A_49 = tpu.memref_squeeze %dma_start3A_48 : memref<1x80xi32, #tpu.memory_space<vmem>> -> memref<80xi32, #tpu.memory_space<vmem>>
    %dma_start3A_50 = tpu.memref_slice %arg2[%mul3A_41] : memref<500000xi32, #tpu.memory_space<hbm>> -> memref<80xi32, #tpu.memory_space<hbm>>
    tpu.enqueue_dma source(%dma_start3A_50 : memref<80xi32, #tpu.memory_space<hbm>>) target(%dma_start3A_49 : memref<80xi32, #tpu.memory_space<vmem>>) target_semaphore(%arg10 : memref<!tpu.dma_semaphore, #tpu.memory_space<semaphore_mem>>)
    %add3A_51 = arith.constant 96 : i32
    %add3A_52 = arith.addi %add3A, %add3A_51 : i32
    %min3A_53 = arith.minsi %add3A_52, %add3A_8 : i32
    %mul3A_54 = arith.constant 80 : i32
    %mul3A_55 = arith.muli %min3A_53, %mul3A_54 : i32
    %dma_start3A_56 = arith.constant 3 : i32
    %dma_start3A_57 = arith.constant 0 : i32
    %dma_start3A_58 = tpu.memref_slice %arg5[%dma_start3A_56, %dma_start3A_57] : memref<4x80xi32, #tpu.memory_space<vmem>> -> memref<1x80xi32, #tpu.memory_space<vmem>>
    %dma_start3A_59 = tpu.memref_squeeze %dma_start3A_58 : memref<1x80xi32, #tpu.memory_space<vmem>> -> memref<80xi32, #tpu.memory_space<vmem>>
    %dma_start3A_60 = tpu.memref_slice %arg2[%mul3A_55] : memref<500000xi32, #tpu.memory_space<hbm>> -> memref<80xi32, #tpu.memory_space<hbm>>
    %dma_start3A_61 = arith.constant 0 : i32
    %dma_start3A_62 = tpu.memref_slice %arg5[%dma_start3A_56, %dma_start3A_61] : memref<4x80xi32, #tpu.memory_space<vmem>> -> memref<1x80xi32, #tpu.memory_space<vmem>>
    %dma_start3A_63 = tpu.memref_squeeze %dma_start3A_62 : memref<1x80xi32, #tpu.memory_space<vmem>> -> memref<80xi32, #tpu.memory_space<vmem>>
    %dma_start3A_64 = tpu.memref_slice %arg2[%mul3A_55] : memref<500000xi32, #tpu.memory_space<hbm>> -> memref<80xi32, #tpu.memory_space<hbm>>
    tpu.enqueue_dma source(%dma_start3A_64 : memref<80xi32, #tpu.memory_space<hbm>>) target(%dma_start3A_63 : memref<80xi32, #tpu.memory_space<vmem>>) target_semaphore(%arg11 : memref<!tpu.dma_semaphore, #tpu.memory_space<semaphore_mem>>)
    %dma_wait3A = arith.constant 0 : i32
    %dma_wait3A_65 = arith.constant 0 : i32
    %dma_wait3A_66 = tpu.memref_slice %arg5[%dma_wait3A, %dma_wait3A_65] : memref<4x80xi32, #tpu.memory_space<vmem>> -> memref<1x80xi32, #tpu.memory_space<vmem>>
    %dma_wait3A_67 = tpu.memref_squeeze %dma_wait3A_66 : memref<1x80xi32, #tpu.memory_space<vmem>> -> memref<80xi32, #tpu.memory_space<vmem>>
    %dma_wait3A_68 = arith.constant 0 : i32
    %dma_wait3A_69 = tpu.memref_slice %arg2[%dma_wait3A_68] : memref<500000xi32, #tpu.memory_space<hbm>> -> memref<80xi32, #tpu.memory_space<hbm>>
    %dma_wait3A_70 = arith.constant 0 : i32
    %dma_wait3A_71 = tpu.memref_slice %arg5[%dma_wait3A, %dma_wait3A_70] : memref<4x80xi32, #tpu.memory_space<vmem>> -> memref<1x80xi32, #tpu.memory_space<vmem>>
    %dma_wait3A_72 = tpu.memref_squeeze %dma_wait3A_71 : memref<1x80xi32, #tpu.memory_space<vmem>> -> memref<80xi32, #tpu.memory_space<vmem>>
    %dma_wait3A_73 = arith.constant 0 : i32
    %dma_wait3A_74 = tpu.memref_slice %arg2[%dma_wait3A_73] : memref<500000xi32, #tpu.memory_space<hbm>> -> memref<80xi32, #tpu.memory_space<hbm>>
    tpu.wait_dma2 semaphore(%arg8 : memref<!tpu.dma_semaphore, #tpu.memory_space<semaphore_mem>>) src(%dma_wait3A_74 : memref<80xi32, #tpu.memory_space<hbm>>) dst(%dma_wait3A_72 : memref<80xi32, #tpu.memory_space<vmem>>)
    %dma_start3A_75 = arith.constant 0 : i32
    %dma_start3A_76 = arith.constant 0 : i32
    %dma_start3A_77 = arith.constant 0 : i32
    %dma_start3A_78 = arith.constant 0 : i32
    %dma_start3A_79 = tpu.memref_slice %arg6[%dma_start3A_76, %dma_start3A_77, %dma_start3A_78] : memref<4x80x128xf32, #tpu.memory_space<vmem>> -> memref<1x80x128xf32, #tpu.memory_space<vmem>>
    %dma_start3A_80 = tpu.memref_squeeze %dma_start3A_79 : memref<1x80x128xf32, #tpu.memory_space<vmem>> -> memref<80x128xf32, #tpu.memory_space<vmem>>
    %dma_start3A_81 = arith.constant 0 : i32
    %dma_start3A_82 = tpu.memref_slice %arg5[%dma_start3A_75, %dma_start3A_81] : memref<4x80xi32, #tpu.memory_space<vmem>> -> memref<1x80xi32, #tpu.memory_space<vmem>>
    %dma_start3A_83 = tpu.memref_squeeze %dma_start3A_82 : memref<1x80xi32, #tpu.memory_space<vmem>> -> memref<80xi32, #tpu.memory_space<vmem>>
    %dma_start3A_84 = arith.constant 0 : i32
    %dma_start3A_85 = arith.constant 0 : i32
    %dma_start3A_86 = tpu.memref_slice %arg7[%dma_start3A_84, %dma_start3A_85] : memref<87x128xf32, #tpu.memory_space<vmem_shared>> -> memref<87x128xf32, #tpu.memory_space<vmem_shared>>
    tpu.enqueue_indirect_dma source(%dma_start3A_86 : memref<87x128xf32, #tpu.memory_space<vmem_shared>>) target(%dma_start3A_80 : memref<80x128xf32, #tpu.memory_space<vmem>>) offsets(%dma_start3A_83 : memref<80xi32, #tpu.memory_space<vmem>>) semaphore(%arg12 : memref<!tpu.dma_semaphore, #tpu.memory_space<semaphore_mem>>)
    %dma_wait3A_87 = arith.constant 1 : i32
    %dma_wait3A_88 = arith.constant 0 : i32
    %dma_wait3A_89 = tpu.memref_slice %arg5[%dma_wait3A_87, %dma_wait3A_88] : memref<4x80xi32, #tpu.memory_space<vmem>> -> memref<1x80xi32, #tpu.memory_space<vmem>>
    %dma_wait3A_90 = tpu.memref_squeeze %dma_wait3A_89 : memref<1x80xi32, #tpu.memory_space<vmem>> -> memref<80xi32, #tpu.memory_space<vmem>>
    %dma_wait3A_91 = arith.constant 0 : i32
    %dma_wait3A_92 = tpu.memref_slice %arg2[%dma_wait3A_91] : memref<500000xi32, #tpu.memory_space<hbm>> -> memref<80xi32, #tpu.memory_space<hbm>>
    %dma_wait3A_93 = arith.constant 0 : i32
    %dma_wait3A_94 = tpu.memref_slice %arg5[%dma_wait3A_87, %dma_wait3A_93] : memref<4x80xi32, #tpu.memory_space<vmem>> -> memref<1x80xi32, #tpu.memory_space<vmem>>
    %dma_wait3A_95 = tpu.memref_squeeze %dma_wait3A_94 : memref<1x80xi32, #tpu.memory_space<vmem>> -> memref<80xi32, #tpu.memory_space<vmem>>
    %dma_wait3A_96 = arith.constant 0 : i32
    %dma_wait3A_97 = tpu.memref_slice %arg2[%dma_wait3A_96] : memref<500000xi32, #tpu.memory_space<hbm>> -> memref<80xi32, #tpu.memory_space<hbm>>
    tpu.wait_dma2 semaphore(%arg9 : memref<!tpu.dma_semaphore, #tpu.memory_space<semaphore_mem>>) src(%dma_wait3A_97 : memref<80xi32, #tpu.memory_space<hbm>>) dst(%dma_wait3A_95 : memref<80xi32, #tpu.memory_space<vmem>>)
    %dma_start3A_98 = arith.constant 1 : i32
    %dma_start3A_99 = arith.constant 1 : i32
    %dma_start3A_100 = arith.constant 0 : i32
    %dma_start3A_101 = arith.constant 0 : i32
    %dma_start3A_102 = tpu.memref_slice %arg6[%dma_start3A_99, %dma_start3A_100, %dma_start3A_101] : memref<4x80x128xf32, #tpu.memory_space<vmem>> -> memref<1x80x128xf32, #tpu.memory_space<vmem>>
    %dma_start3A_103 = tpu.memref_squeeze %dma_start3A_102 : memref<1x80x128xf32, #tpu.memory_space<vmem>> -> memref<80x128xf32, #tpu.memory_space<vmem>>
    %dma_start3A_104 = arith.constant 0 : i32
    %dma_start3A_105 = tpu.memref_slice %arg5[%dma_start3A_98, %dma_start3A_104] : memref<4x80xi32, #tpu.memory_space<vmem>> -> memref<1x80xi32, #tpu.memory_space<vmem>>
    %dma_start3A_106 = tpu.memref_squeeze %dma_start3A_105 : memref<1x80xi32, #tpu.memory_space<vmem>> -> memref<80xi32, #tpu.memory_space<vmem>>
    %dma_start3A_107 = arith.constant 0 : i32
    %dma_start3A_108 = arith.constant 0 : i32
    %dma_start3A_109 = tpu.memref_slice %arg7[%dma_start3A_107, %dma_start3A_108] : memref<87x128xf32, #tpu.memory_space<vmem_shared>> -> memref<87x128xf32, #tpu.memory_space<vmem_shared>>
    tpu.enqueue_indirect_dma source(%dma_start3A_109 : memref<87x128xf32, #tpu.memory_space<vmem_shared>>) target(%dma_start3A_103 : memref<80x128xf32, #tpu.memory_space<vmem>>) offsets(%dma_start3A_106 : memref<80xi32, #tpu.memory_space<vmem>>) semaphore(%arg13 : memref<!tpu.dma_semaphore, #tpu.memory_space<semaphore_mem>>)
    %scan3A = arith.constant 0 : i32
    %scan3A_110 = arith.constant 0 : i32
    %scan3A_111 = arith.constant 49 : i32
    %scan3A_112 = arith.addi %scan3A_110, %scan3A_111 : i32
    %scan3A_113 = arith.constant 1 : i32
    scf.for %scan3A_175 = %scan3A_110 to %scan3A_112 step %scan3A_113  : i32 {
      %mul3A_176 = arith.constant 4 : i32
      %mul3A_177 = arith.muli %mul3A_176, %scan3A_175 : i32
      %add3A_178 = arith.constant 0 : i32
      %add3A_179 = arith.addi %mul3A_177, %add3A_178 : i32
      %add3A_180 = arith.constant 2 : i32
      %add3A_181 = arith.addi %add3A_179, %add3A_180 : i32
      %lt3A_182 = arith.constant 196 : i32
      %lt3A_183 = arith.cmpi slt, %add3A_181, %lt3A_182 : i32
      %convert_element_type3A_184 = arith.extui %lt3A_183 : i1 to i32
      %cond3A_185 = arith.constant 0 : i32
      %cond3A_186 = arith.cmpi ne, %convert_element_type3A_184, %cond3A_185 : i32
      scf.if %cond3A_186 {
        %gt3A = arith.constant 0 : i32
        %gt3A_372 = arith.cmpi sgt, %scan3A_175, %gt3A : i32
        %or3A = arith.constant false
        %or3A_373 = arith.ori %gt3A_372, %or3A : i1
        %convert_element_type3A_374 = arith.extui %or3A_373 : i1 to i32
        %cond3A_375 = arith.constant 0 : i32
        %cond3A_376 = arith.cmpi ne, %convert_element_type3A_374, %cond3A_375 : i32
        scf.if %cond3A_376 {
          %dma_wait3A_400 = arith.constant 2 : i32
          %dma_wait3A_401 = arith.constant 0 : i32
          %dma_wait3A_402 = arith.constant 0 : i32
          %dma_wait3A_403 = tpu.memref_slice %arg6[%dma_wait3A_400, %dma_wait3A_401, %dma_wait3A_402] : memref<4x80x128xf32, #tpu.memory_space<vmem>> -> memref<1x80x128xf32, #tpu.memory_space<vmem>>
          %dma_wait3A_404 = tpu.memref_squeeze %dma_wait3A_403 : memref<1x80x128xf32, #tpu.memory_space<vmem>> -> memref<80x128xf32, #tpu.memory_space<vmem>>
          %dma_wait3A_405 = arith.constant 0 : i32
          %dma_wait3A_406 = arith.constant 0 : i32
          %dma_wait3A_407 = tpu.memref_slice %arg4[%dma_wait3A_405, %dma_wait3A_406] : memref<500000x128xf32, #tpu.memory_space<hbm>> -> memref<80x128xf32, #tpu.memory_space<hbm>>
          %dma_wait3A_408 = arith.constant 0 : i32
          %dma_wait3A_409 = arith.constant 0 : i32
          %dma_wait3A_410 = tpu.memref_slice %arg4[%dma_wait3A_408, %dma_wait3A_409] : memref<500000x128xf32, #tpu.memory_space<hbm>> -> memref<80x128xf32, #tpu.memory_space<hbm>>
          %dma_wait3A_411 = arith.constant 0 : i32
          %dma_wait3A_412 = arith.constant 0 : i32
          %dma_wait3A_413 = tpu.memref_slice %arg6[%dma_wait3A_400, %dma_wait3A_411, %dma_wait3A_412] : memref<4x80x128xf32, #tpu.memory_space<vmem>> -> memref<1x80x128xf32, #tpu.memory_space<vmem>>
          %dma_wait3A_414 = tpu.memref_squeeze %dma_wait3A_413 : memref<1x80x128xf32, #tpu.memory_space<vmem>> -> memref<80x128xf32, #tpu.memory_space<vmem>>
          tpu.wait_dma2 semaphore(%arg18 : memref<!tpu.dma_semaphore, #tpu.memory_space<semaphore_mem>>) src(%dma_wait3A_414 : memref<80x128xf32, #tpu.memory_space<vmem>>) dst(%dma_wait3A_410 : memref<80x128xf32, #tpu.memory_space<hbm>>)
        } else {
        }
        %dma_wait3A_377 = arith.constant 2 : i32
        %dma_wait3A_378 = arith.constant 0 : i32
        %dma_wait3A_379 = tpu.memref_slice %arg5[%dma_wait3A_377, %dma_wait3A_378] : memref<4x80xi32, #tpu.memory_space<vmem>> -> memref<1x80xi32, #tpu.memory_space<vmem>>
        %dma_wait3A_380 = tpu.memref_squeeze %dma_wait3A_379 : memref<1x80xi32, #tpu.memory_space<vmem>> -> memref<80xi32, #tpu.memory_space<vmem>>
        %dma_wait3A_381 = arith.constant 0 : i32
        %dma_wait3A_382 = tpu.memref_slice %arg2[%dma_wait3A_381] : memref<500000xi32, #tpu.memory_space<hbm>> -> memref<80xi32, #tpu.memory_space<hbm>>
        %dma_wait3A_383 = arith.constant 0 : i32
        %dma_wait3A_384 = tpu.memref_slice %arg5[%dma_wait3A_377, %dma_wait3A_383] : memref<4x80xi32, #tpu.memory_space<vmem>> -> memref<1x80xi32, #tpu.memory_space<vmem>>
        %dma_wait3A_385 = tpu.memref_squeeze %dma_wait3A_384 : memref<1x80xi32, #tpu.memory_space<vmem>> -> memref<80xi32, #tpu.memory_space<vmem>>
        %dma_wait3A_386 = arith.constant 0 : i32
        %dma_wait3A_387 = tpu.memref_slice %arg2[%dma_wait3A_386] : memref<500000xi32, #tpu.memory_space<hbm>> -> memref<80xi32, #tpu.memory_space<hbm>>
        tpu.wait_dma2 semaphore(%arg10 : memref<!tpu.dma_semaphore, #tpu.memory_space<semaphore_mem>>) src(%dma_wait3A_387 : memref<80xi32, #tpu.memory_space<hbm>>) dst(%dma_wait3A_385 : memref<80xi32, #tpu.memory_space<vmem>>)
        %dma_start3A_388 = arith.constant 2 : i32
        %dma_start3A_389 = arith.constant 2 : i32
        %dma_start3A_390 = arith.constant 0 : i32
        %dma_start3A_391 = arith.constant 0 : i32
        %dma_start3A_392 = tpu.memref_slice %arg6[%dma_start3A_389, %dma_start3A_390, %dma_start3A_391] : memref<4x80x128xf32, #tpu.memory_space<vmem>> -> memref<1x80x128xf32, #tpu.memory_space<vmem>>
        %dma_start3A_393 = tpu.memref_squeeze %dma_start3A_392 : memref<1x80x128xf32, #tpu.memory_space<vmem>> -> memref<80x128xf32, #tpu.memory_space<vmem>>
        %dma_start3A_394 = arith.constant 0 : i32
        %dma_start3A_395 = tpu.memref_slice %arg5[%dma_start3A_388, %dma_start3A_394] : memref<4x80xi32, #tpu.memory_space<vmem>> -> memref<1x80xi32, #tpu.memory_space<vmem>>
        %dma_start3A_396 = tpu.memref_squeeze %dma_start3A_395 : memref<1x80xi32, #tpu.memory_space<vmem>> -> memref<80xi32, #tpu.memory_space<vmem>>
        %dma_start3A_397 = arith.constant 0 : i32
        %dma_start3A_398 = arith.constant 0 : i32
        %dma_start3A_399 = tpu.memref_slice %arg7[%dma_start3A_397, %dma_start3A_398] : memref<87x128xf32, #tpu.memory_space<vmem_shared>> -> memref<87x128xf32, #tpu.memory_space<vmem_shared>>
        tpu.enqueue_indirect_dma source(%dma_start3A_399 : memref<87x128xf32, #tpu.memory_space<vmem_shared>>) target(%dma_start3A_393 : memref<80x128xf32, #tpu.memory_space<vmem>>) offsets(%dma_start3A_396 : memref<80xi32, #tpu.memory_space<vmem>>) semaphore(%arg14 : memref<!tpu.dma_semaphore, #tpu.memory_space<semaphore_mem>>)
      } else {
      }
      %dma_wait3A_187 = arith.constant 0 : i32
      %dma_wait3A_188 = arith.constant 0 : i32
      %dma_wait3A_189 = arith.constant 0 : i32
      %dma_wait3A_190 = arith.constant 0 : i32
      %dma_wait3A_191 = tpu.memref_slice %arg6[%dma_wait3A_188, %dma_wait3A_189, %dma_wait3A_190] : memref<4x80x128xf32, #tpu.memory_space<vmem>> -> memref<1x80x128xf32, #tpu.memory_space<vmem>>
      %dma_wait3A_192 = tpu.memref_squeeze %dma_wait3A_191 : memref<1x80x128xf32, #tpu.memory_space<vmem>> -> memref<80x128xf32, #tpu.memory_space<vmem>>
      %dma_wait3A_193 = arith.constant 0 : i32
      %dma_wait3A_194 = tpu.memref_slice %arg5[%dma_wait3A_187, %dma_wait3A_193] : memref<4x80xi32, #tpu.memory_space<vmem>> -> memref<1x80xi32, #tpu.memory_space<vmem>>
      %dma_wait3A_195 = tpu.memref_squeeze %dma_wait3A_194 : memref<1x80xi32, #tpu.memory_space<vmem>> -> memref<80xi32, #tpu.memory_space<vmem>>
      %dma_wait3A_196 = arith.constant 0 : i32
      %dma_wait3A_197 = arith.constant 0 : i32
      %dma_wait3A_198 = tpu.memref_slice %arg7[%dma_wait3A_196, %dma_wait3A_197] : memref<87x128xf32, #tpu.memory_space<vmem_shared>> -> memref<87x128xf32, #tpu.memory_space<vmem_shared>>
      tpu.wait_indirect_dma semaphore(%arg12 : memref<!tpu.dma_semaphore, #tpu.memory_space<semaphore_mem>>) src(%dma_wait3A_198 : memref<87x128xf32, #tpu.memory_space<vmem_shared>>) dst(%dma_wait3A_192 : memref<80x128xf32, #tpu.memory_space<vmem>>)
      %mul3A_199 = arith.constant 32 : i32
      %mul3A_200 = arith.muli %add3A_179, %mul3A_199 : i32
      %add3A_201 = arith.addi %add3A, %mul3A_200 : i32
      %min3A_202 = arith.minsi %add3A_201, %add3A_8 : i32
      %mul3A_203 = arith.constant 80 : i32
      %mul3A_204 = arith.muli %min3A_202, %mul3A_203 : i32
      %dma_start3A_205 = arith.constant 0 : i32
      %dma_start3A_206 = arith.constant 0 : i32
      %dma_start3A_207 = arith.constant 0 : i32
      %dma_start3A_208 = tpu.memref_slice %arg6[%dma_start3A_205, %dma_start3A_206, %dma_start3A_207] : memref<4x80x128xf32, #tpu.memory_space<vmem>> -> memref<1x80x128xf32, #tpu.memory_space<vmem>>
      %dma_start3A_209 = tpu.memref_squeeze %dma_start3A_208 : memref<1x80x128xf32, #tpu.memory_space<vmem>> -> memref<80x128xf32, #tpu.memory_space<vmem>>
      %dma_start3A_210 = arith.constant 0 : i32
      %dma_start3A_211 = tpu.memref_slice %arg4[%mul3A_204, %dma_start3A_210] : memref<500000x128xf32, #tpu.memory_space<hbm>> -> memref<80x128xf32, #tpu.memory_space<hbm>>
      %dma_start3A_212 = arith.constant 0 : i32
      %dma_start3A_213 = tpu.memref_slice %arg4[%mul3A_204, %dma_start3A_212] : memref<500000x128xf32, #tpu.memory_space<hbm>> -> memref<80x128xf32, #tpu.memory_space<hbm>>
      %dma_start3A_214 = arith.constant 0 : i32
      %dma_start3A_215 = arith.constant 0 : i32
      %dma_start3A_216 = tpu.memref_slice %arg6[%dma_start3A_205, %dma_start3A_214, %dma_start3A_215] : memref<4x80x128xf32, #tpu.memory_space<vmem>> -> memref<1x80x128xf32, #tpu.memory_space<vmem>>
      %dma_start3A_217 = tpu.memref_squeeze %dma_start3A_216 : memref<1x80x128xf32, #tpu.memory_space<vmem>> -> memref<80x128xf32, #tpu.memory_space<vmem>>
      tpu.enqueue_dma source(%dma_start3A_217 : memref<80x128xf32, #tpu.memory_space<vmem>>) target(%dma_start3A_213 : memref<80x128xf32, #tpu.memory_space<hbm>>) target_semaphore(%arg16 : memref<!tpu.dma_semaphore, #tpu.memory_space<semaphore_mem>>)
      %add3A_218 = arith.constant 4 : i32
      %add3A_219 = arith.addi %add3A_179, %add3A_218 : i32
      %lt3A_220 = arith.constant 196 : i32
      %lt3A_221 = arith.cmpi slt, %add3A_219, %lt3A_220 : i32
      %convert_element_type3A_222 = arith.extui %lt3A_221 : i1 to i32
      %cond3A_223 = arith.constant 0 : i32
      %cond3A_224 = arith.cmpi ne, %convert_element_type3A_222, %cond3A_223 : i32
      scf.if %cond3A_224 {
        %add3A_372 = arith.constant 4 : i32
        %add3A_373 = arith.addi %add3A_179, %add3A_372 : i32
        %mul3A_374 = arith.constant 32 : i32
        %mul3A_375 = arith.muli %add3A_373, %mul3A_374 : i32
        %add3A_376 = arith.addi %add3A, %mul3A_375 : i32
        %min3A_377 = arith.minsi %add3A_376, %add3A_8 : i32
        %mul3A_378 = arith.constant 80 : i32
        %mul3A_379 = arith.muli %min3A_377, %mul3A_378 : i32
        %dma_start3A_380 = arith.constant 0 : i32
        %dma_start3A_381 = arith.constant 0 : i32
        %dma_start3A_382 = tpu.memref_slice %arg5[%dma_start3A_380, %dma_start3A_381] : memref<4x80xi32, #tpu.memory_space<vmem>> -> memref<1x80xi32, #tpu.memory_space<vmem>>
        %dma_start3A_383 = tpu.memref_squeeze %dma_start3A_382 : memref<1x80xi32, #tpu.memory_space<vmem>> -> memref<80xi32, #tpu.memory_space<vmem>>
        %dma_start3A_384 = tpu.memref_slice %arg2[%mul3A_379] : memref<500000xi32, #tpu.memory_space<hbm>> -> memref<80xi32, #tpu.memory_space<hbm>>
        %dma_start3A_385 = arith.constant 0 : i32
        %dma_start3A_386 = tpu.memref_slice %arg5[%dma_start3A_380, %dma_start3A_385] : memref<4x80xi32, #tpu.memory_space<vmem>> -> memref<1x80xi32, #tpu.memory_space<vmem>>
        %dma_start3A_387 = tpu.memref_squeeze %dma_start3A_386 : memref<1x80xi32, #tpu.memory_space<vmem>> -> memref<80xi32, #tpu.memory_space<vmem>>
        %dma_start3A_388 = tpu.memref_slice %arg2[%mul3A_379] : memref<500000xi32, #tpu.memory_space<hbm>> -> memref<80xi32, #tpu.memory_space<hbm>>
        tpu.enqueue_dma source(%dma_start3A_388 : memref<80xi32, #tpu.memory_space<hbm>>) target(%dma_start3A_387 : memref<80xi32, #tpu.memory_space<vmem>>) target_semaphore(%arg8 : memref<!tpu.dma_semaphore, #tpu.memory_space<semaphore_mem>>)
      } else {
      }
      %mul3A_225 = arith.constant 4 : i32
      %mul3A_226 = arith.muli %mul3A_225, %scan3A_175 : i32
      %add3A_227 = arith.constant 1 : i32
      %add3A_228 = arith.addi %mul3A_226, %add3A_227 : i32
      %add3A_229 = arith.constant 2 : i32
      %add3A_230 = arith.addi %add3A_228, %add3A_229 : i32
      %lt3A_231 = arith.constant 196 : i32
      %lt3A_232 = arith.cmpi slt, %add3A_230, %lt3A_231 : i32
      %convert_element_type3A_233 = arith.extui %lt3A_232 : i1 to i32
      %cond3A_234 = arith.constant 0 : i32
      %cond3A_235 = arith.cmpi ne, %convert_element_type3A_233, %cond3A_234 : i32
      scf.if %cond3A_235 {
        %gt3A = arith.constant 0 : i32
        %gt3A_372 = arith.cmpi sgt, %scan3A_175, %gt3A : i32
        %or3A = arith.constant false
        %or3A_373 = arith.ori %gt3A_372, %or3A : i1
        %convert_element_type3A_374 = arith.extui %or3A_373 : i1 to i32
        %cond3A_375 = arith.constant 0 : i32
        %cond3A_376 = arith.cmpi ne, %convert_element_type3A_374, %cond3A_375 : i32
        scf.if %cond3A_376 {
          %dma_wait3A_400 = arith.constant 3 : i32
          %dma_wait3A_401 = arith.constant 0 : i32
          %dma_wait3A_402 = arith.constant 0 : i32
          %dma_wait3A_403 = tpu.memref_slice %arg6[%dma_wait3A_400, %dma_wait3A_401, %dma_wait3A_402] : memref<4x80x128xf32, #tpu.memory_space<vmem>> -> memref<1x80x128xf32, #tpu.memory_space<vmem>>
          %dma_wait3A_404 = tpu.memref_squeeze %dma_wait3A_403 : memref<1x80x128xf32, #tpu.memory_space<vmem>> -> memref<80x128xf32, #tpu.memory_space<vmem>>
          %dma_wait3A_405 = arith.constant 0 : i32
          %dma_wait3A_406 = arith.constant 0 : i32
          %dma_wait3A_407 = tpu.memref_slice %arg4[%dma_wait3A_405, %dma_wait3A_406] : memref<500000x128xf32, #tpu.memory_space<hbm>> -> memref<80x128xf32, #tpu.memory_space<hbm>>
          %dma_wait3A_408 = arith.constant 0 : i32
          %dma_wait3A_409 = arith.constant 0 : i32
          %dma_wait3A_410 = tpu.memref_slice %arg4[%dma_wait3A_408, %dma_wait3A_409] : memref<500000x128xf32, #tpu.memory_space<hbm>> -> memref<80x128xf32, #tpu.memory_space<hbm>>
          %dma_wait3A_411 = arith.constant 0 : i32
          %dma_wait3A_412 = arith.constant 0 : i32
          %dma_wait3A_413 = tpu.memref_slice %arg6[%dma_wait3A_400, %dma_wait3A_411, %dma_wait3A_412] : memref<4x80x128xf32, #tpu.memory_space<vmem>> -> memref<1x80x128xf32, #tpu.memory_space<vmem>>
          %dma_wait3A_414 = tpu.memref_squeeze %dma_wait3A_413 : memref<1x80x128xf32, #tpu.memory_space<vmem>> -> memref<80x128xf32, #tpu.memory_space<vmem>>
          tpu.wait_dma2 semaphore(%arg19 : memref<!tpu.dma_semaphore, #tpu.memory_space<semaphore_mem>>) src(%dma_wait3A_414 : memref<80x128xf32, #tpu.memory_space<vmem>>) dst(%dma_wait3A_410 : memref<80x128xf32, #tpu.memory_space<hbm>>)
        } else {
        }
        %dma_wait3A_377 = arith.constant 3 : i32
        %dma_wait3A_378 = arith.constant 0 : i32
        %dma_wait3A_379 = tpu.memref_slice %arg5[%dma_wait3A_377, %dma_wait3A_378] : memref<4x80xi32, #tpu.memory_space<vmem>> -> memref<1x80xi32, #tpu.memory_space<vmem>>
        %dma_wait3A_380 = tpu.memref_squeeze %dma_wait3A_379 : memref<1x80xi32, #tpu.memory_space<vmem>> -> memref<80xi32, #tpu.memory_space<vmem>>
        %dma_wait3A_381 = arith.constant 0 : i32
        %dma_wait3A_382 = tpu.memref_slice %arg2[%dma_wait3A_381] : memref<500000xi32, #tpu.memory_space<hbm>> -> memref<80xi32, #tpu.memory_space<hbm>>
        %dma_wait3A_383 = arith.constant 0 : i32
        %dma_wait3A_384 = tpu.memref_slice %arg5[%dma_wait3A_377, %dma_wait3A_383] : memref<4x80xi32, #tpu.memory_space<vmem>> -> memref<1x80xi32, #tpu.memory_space<vmem>>
        %dma_wait3A_385 = tpu.memref_squeeze %dma_wait3A_384 : memref<1x80xi32, #tpu.memory_space<vmem>> -> memref<80xi32, #tpu.memory_space<vmem>>
        %dma_wait3A_386 = arith.constant 0 : i32
        %dma_wait3A_387 = tpu.memref_slice %arg2[%dma_wait3A_386] : memref<500000xi32, #tpu.memory_space<hbm>> -> memref<80xi32, #tpu.memory_space<hbm>>
        tpu.wait_dma2 semaphore(%arg11 : memref<!tpu.dma_semaphore, #tpu.memory_space<semaphore_mem>>) src(%dma_wait3A_387 : memref<80xi32, #tpu.memory_space<hbm>>) dst(%dma_wait3A_385 : memref<80xi32, #tpu.memory_space<vmem>>)
        %dma_start3A_388 = arith.constant 3 : i32
        %dma_start3A_389 = arith.constant 3 : i32
        %dma_start3A_390 = arith.constant 0 : i32
        %dma_start3A_391 = arith.constant 0 : i32
        %dma_start3A_392 = tpu.memref_slice %arg6[%dma_start3A_389, %dma_start3A_390, %dma_start3A_391] : memref<4x80x128xf32, #tpu.memory_space<vmem>> -> memref<1x80x128xf32, #tpu.memory_space<vmem>>
        %dma_start3A_393 = tpu.memref_squeeze %dma_start3A_392 : memref<1x80x128xf32, #tpu.memory_space<vmem>> -> memref<80x128xf32, #tpu.memory_space<vmem>>
        %dma_start3A_394 = arith.constant 0 : i32
        %dma_start3A_395 = tpu.memref_slice %arg5[%dma_start3A_388, %dma_start3A_394] : memref<4x80xi32, #tpu.memory_space<vmem>> -> memref<1x80xi32, #tpu.memory_space<vmem>>
        %dma_start3A_396 = tpu.memref_squeeze %dma_start3A_395 : memref<1x80xi32, #tpu.memory_space<vmem>> -> memref<80xi32, #tpu.memory_space<vmem>>
        %dma_start3A_397 = arith.constant 0 : i32
        %dma_start3A_398 = arith.constant 0 : i32
        %dma_start3A_399 = tpu.memref_slice %arg7[%dma_start3A_397, %dma_start3A_398] : memref<87x128xf32, #tpu.memory_space<vmem_shared>> -> memref<87x128xf32, #tpu.memory_space<vmem_shared>>
        tpu.enqueue_indirect_dma source(%dma_start3A_399 : memref<87x128xf32, #tpu.memory_space<vmem_shared>>) target(%dma_start3A_393 : memref<80x128xf32, #tpu.memory_space<vmem>>) offsets(%dma_start3A_396 : memref<80xi32, #tpu.memory_space<vmem>>) semaphore(%arg15 : memref<!tpu.dma_semaphore, #tpu.memory_space<semaphore_mem>>)
      } else {
      }
      %dma_wait3A_236 = arith.constant 1 : i32
      %dma_wait3A_237 = arith.constant 1 : i32
      %dma_wait3A_238 = arith.constant 0 : i32
      %dma_wait3A_239 = arith.constant 0 : i32
      %dma_wait3A_240 = tpu.memref_slice %arg6[%dma_wait3A_237, %dma_wait3A_238, %dma_wait3A_239] : memref<4x80x128xf32, #tpu.memory_space<vmem>> -> memref<1x80x128xf32, #tpu.memory_space<vmem>>
      %dma_wait3A_241 = tpu.memref_squeeze %dma_wait3A_240 : memref<1x80x128xf32, #tpu.memory_space<vmem>> -> memref<80x128xf32, #tpu.memory_space<vmem>>
      %dma_wait3A_242 = arith.constant 0 : i32
      %dma_wait3A_243 = tpu.memref_slice %arg5[%dma_wait3A_236, %dma_wait3A_242] : memref<4x80xi32, #tpu.memory_space<vmem>> -> memref<1x80xi32, #tpu.memory_space<vmem>>
      %dma_wait3A_244 = tpu.memref_squeeze %dma_wait3A_243 : memref<1x80xi32, #tpu.memory_space<vmem>> -> memref<80xi32, #tpu.memory_space<vmem>>
      %dma_wait3A_245 = arith.constant 0 : i32
      %dma_wait3A_246 = arith.constant 0 : i32
      %dma_wait3A_247 = tpu.memref_slice %arg7[%dma_wait3A_245, %dma_wait3A_246] : memref<87x128xf32, #tpu.memory_space<vmem_shared>> -> memref<87x128xf32, #tpu.memory_space<vmem_shared>>
      tpu.wait_indirect_dma semaphore(%arg13 : memref<!tpu.dma_semaphore, #tpu.memory_space<semaphore_mem>>) src(%dma_wait3A_247 : memref<87x128xf32, #tpu.memory_space<vmem_shared>>) dst(%dma_wait3A_241 : memref<80x128xf32, #tpu.memory_space<vmem>>)
      %mul3A_248 = arith.constant 32 : i32
      %mul3A_249 = arith.muli %add3A_228, %mul3A_248 : i32
      %add3A_250 = arith.addi %add3A, %mul3A_249 : i32
      %min3A_251 = arith.minsi %add3A_250, %add3A_8 : i32
      %mul3A_252 = arith.constant 80 : i32
      %mul3A_253 = arith.muli %min3A_251, %mul3A_252 : i32
      %dma_start3A_254 = arith.constant 1 : i32
      %dma_start3A_255 = arith.constant 0 : i32
      %dma_start3A_256 = arith.constant 0 : i32
      %dma_start3A_257 = tpu.memref_slice %arg6[%dma_start3A_254, %dma_start3A_255, %dma_start3A_256] : memref<4x80x128xf32, #tpu.memory_space<vmem>> -> memref<1x80x128xf32, #tpu.memory_space<vmem>>
      %dma_start3A_258 = tpu.memref_squeeze %dma_start3A_257 : memref<1x80x128xf32, #tpu.memory_space<vmem>> -> memref<80x128xf32, #tpu.memory_space<vmem>>
      %dma_start3A_259 = arith.constant 0 : i32
      %dma_start3A_260 = tpu.memref_slice %arg4[%mul3A_253, %dma_start3A_259] : memref<500000x128xf32, #tpu.memory_space<hbm>> -> memref<80x128xf32, #tpu.memory_space<hbm>>
      %dma_start3A_261 = arith.constant 0 : i32
      %dma_start3A_262 = tpu.memref_slice %arg4[%mul3A_253, %dma_start3A_261] : memref<500000x128xf32, #tpu.memory_space<hbm>> -> memref<80x128xf32, #tpu.memory_space<hbm>>
      %dma_start3A_263 = arith.constant 0 : i32
      %dma_start3A_264 = arith.constant 0 : i32
      %dma_start3A_265 = tpu.memref_slice %arg6[%dma_start3A_254, %dma_start3A_263, %dma_start3A_264] : memref<4x80x128xf32, #tpu.memory_space<vmem>> -> memref<1x80x128xf32, #tpu.memory_space<vmem>>
      %dma_start3A_266 = tpu.memref_squeeze %dma_start3A_265 : memref<1x80x128xf32, #tpu.memory_space<vmem>> -> memref<80x128xf32, #tpu.memory_space<vmem>>
      tpu.enqueue_dma source(%dma_start3A_266 : memref<80x128xf32, #tpu.memory_space<vmem>>) target(%dma_start3A_262 : memref<80x128xf32, #tpu.memory_space<hbm>>) target_semaphore(%arg17 : memref<!tpu.dma_semaphore, #tpu.memory_space<semaphore_mem>>)
      %add3A_267 = arith.constant 4 : i32
      %add3A_268 = arith.addi %add3A_228, %add3A_267 : i32
      %lt3A_269 = arith.constant 196 : i32
      %lt3A_270 = arith.cmpi slt, %add3A_268, %lt3A_269 : i32
      %convert_element_type3A_271 = arith.extui %lt3A_270 : i1 to i32
      %cond3A_272 = arith.constant 0 : i32
      %cond3A_273 = arith.cmpi ne, %convert_element_type3A_271, %cond3A_272 : i32
      scf.if %cond3A_273 {
        %add3A_372 = arith.constant 4 : i32
        %add3A_373 = arith.addi %add3A_228, %add3A_372 : i32
        %mul3A_374 = arith.constant 32 : i32
        %mul3A_375 = arith.muli %add3A_373, %mul3A_374 : i32
        %add3A_376 = arith.addi %add3A, %mul3A_375 : i32
        %min3A_377 = arith.minsi %add3A_376, %add3A_8 : i32
        %mul3A_378 = arith.constant 80 : i32
        %mul3A_379 = arith.muli %min3A_377, %mul3A_378 : i32
        %dma_start3A_380 = arith.constant 1 : i32
        %dma_start3A_381 = arith.constant 0 : i32
        %dma_start3A_382 = tpu.memref_slice %arg5[%dma_start3A_380, %dma_start3A_381] : memref<4x80xi32, #tpu.memory_space<vmem>> -> memref<1x80xi32, #tpu.memory_space<vmem>>
        %dma_start3A_383 = tpu.memref_squeeze %dma_start3A_382 : memref<1x80xi32, #tpu.memory_space<vmem>> -> memref<80xi32, #tpu.memory_space<vmem>>
        %dma_start3A_384 = tpu.memref_slice %arg2[%mul3A_379] : memref<500000xi32, #tpu.memory_space<hbm>> -> memref<80xi32, #tpu.memory_space<hbm>>
        %dma_start3A_385 = arith.constant 0 : i32
        %dma_start3A_386 = tpu.memref_slice %arg5[%dma_start3A_380, %dma_start3A_385] : memref<4x80xi32, #tpu.memory_space<vmem>> -> memref<1x80xi32, #tpu.memory_space<vmem>>
        %dma_start3A_387 = tpu.memref_squeeze %dma_start3A_386 : memref<1x80xi32, #tpu.memory_space<vmem>> -> memref<80xi32, #tpu.memory_space<vmem>>
        %dma_start3A_388 = tpu.memref_slice %arg2[%mul3A_379] : memref<500000xi32, #tpu.memory_space<hbm>> -> memref<80xi32, #tpu.memory_space<hbm>>
        tpu.enqueue_dma source(%dma_start3A_388 : memref<80xi32, #tpu.memory_space<hbm>>) target(%dma_start3A_387 : memref<80xi32, #tpu.memory_space<vmem>>) target_semaphore(%arg9 : memref<!tpu.dma_semaphore, #tpu.memory_space<semaphore_mem>>)
      } else {
      }
      %mul3A_274 = arith.constant 4 : i32
      %mul3A_275 = arith.muli %mul3A_274, %scan3A_175 : i32
      %add3A_276 = arith.constant 2 : i32
      %add3A_277 = arith.addi %mul3A_275, %add3A_276 : i32
      %add3A_278 = arith.constant 2 : i32
      %add3A_279 = arith.addi %add3A_277, %add3A_278 : i32
      %lt3A_280 = arith.constant 196 : i32
      %lt3A_281 = arith.cmpi slt, %add3A_279, %lt3A_280 : i32
      %convert_element_type3A_282 = arith.extui %lt3A_281 : i1 to i32
      %cond3A_283 = arith.constant 0 : i32
      %cond3A_284 = arith.cmpi ne, %convert_element_type3A_282, %cond3A_283 : i32
      scf.if %cond3A_284 {
        %gt3A = arith.constant 0 : i32
        %gt3A_372 = arith.cmpi sgt, %scan3A_175, %gt3A : i32
        %or3A = arith.constant true
        %or3A_373 = arith.ori %gt3A_372, %or3A : i1
        %convert_element_type3A_374 = arith.extui %or3A_373 : i1 to i32
        %cond3A_375 = arith.constant 0 : i32
        %cond3A_376 = arith.cmpi ne, %convert_element_type3A_374, %cond3A_375 : i32
        scf.if %cond3A_376 {
          %dma_wait3A_400 = arith.constant 0 : i32
          %dma_wait3A_401 = arith.constant 0 : i32
          %dma_wait3A_402 = arith.constant 0 : i32
          %dma_wait3A_403 = tpu.memref_slice %arg6[%dma_wait3A_400, %dma_wait3A_401, %dma_wait3A_402] : memref<4x80x128xf32, #tpu.memory_space<vmem>> -> memref<1x80x128xf32, #tpu.memory_space<vmem>>
          %dma_wait3A_404 = tpu.memref_squeeze %dma_wait3A_403 : memref<1x80x128xf32, #tpu.memory_space<vmem>> -> memref<80x128xf32, #tpu.memory_space<vmem>>
          %dma_wait3A_405 = arith.constant 0 : i32
          %dma_wait3A_406 = arith.constant 0 : i32
          %dma_wait3A_407 = tpu.memref_slice %arg4[%dma_wait3A_405, %dma_wait3A_406] : memref<500000x128xf32, #tpu.memory_space<hbm>> -> memref<80x128xf32, #tpu.memory_space<hbm>>
          %dma_wait3A_408 = arith.constant 0 : i32
          %dma_wait3A_409 = arith.constant 0 : i32
          %dma_wait3A_410 = tpu.memref_slice %arg4[%dma_wait3A_408, %dma_wait3A_409] : memref<500000x128xf32, #tpu.memory_space<hbm>> -> memref<80x128xf32, #tpu.memory_space<hbm>>
          %dma_wait3A_411 = arith.constant 0 : i32
          %dma_wait3A_412 = arith.constant 0 : i32
          %dma_wait3A_413 = tpu.memref_slice %arg6[%dma_wait3A_400, %dma_wait3A_411, %dma_wait3A_412] : memref<4x80x128xf32, #tpu.memory_space<vmem>> -> memref<1x80x128xf32, #tpu.memory_space<vmem>>
          %dma_wait3A_414 = tpu.memref_squeeze %dma_wait3A_413 : memref<1x80x128xf32, #tpu.memory_space<vmem>> -> memref<80x128xf32, #tpu.memory_space<vmem>>
          tpu.wait_dma2 semaphore(%arg16 : memref<!tpu.dma_semaphore, #tpu.memory_space<semaphore_mem>>) src(%dma_wait3A_414 : memref<80x128xf32, #tpu.memory_space<vmem>>) dst(%dma_wait3A_410 : memref<80x128xf32, #tpu.memory_space<hbm>>)
        } else {
        }
        %dma_wait3A_377 = arith.constant 0 : i32
        %dma_wait3A_378 = arith.constant 0 : i32
        %dma_wait3A_379 = tpu.memref_slice %arg5[%dma_wait3A_377, %dma_wait3A_378] : memref<4x80xi32, #tpu.memory_space<vmem>> -> memref<1x80xi32, #tpu.memory_space<vmem>>
        %dma_wait3A_380 = tpu.memref_squeeze %dma_wait3A_379 : memref<1x80xi32, #tpu.memory_space<vmem>> -> memref<80xi32, #tpu.memory_space<vmem>>
        %dma_wait3A_381 = arith.constant 0 : i32
        %dma_wait3A_382 = tpu.memref_slice %arg2[%dma_wait3A_381] : memref<500000xi32, #tpu.memory_space<hbm>> -> memref<80xi32, #tpu.memory_space<hbm>>
        %dma_wait3A_383 = arith.constant 0 : i32
        %dma_wait3A_384 = tpu.memref_slice %arg5[%dma_wait3A_377, %dma_wait3A_383] : memref<4x80xi32, #tpu.memory_space<vmem>> -> memref<1x80xi32, #tpu.memory_space<vmem>>
        %dma_wait3A_385 = tpu.memref_squeeze %dma_wait3A_384 : memref<1x80xi32, #tpu.memory_space<vmem>> -> memref<80xi32, #tpu.memory_space<vmem>>
        %dma_wait3A_386 = arith.constant 0 : i32
        %dma_wait3A_387 = tpu.memref_slice %arg2[%dma_wait3A_386] : memref<500000xi32, #tpu.memory_space<hbm>> -> memref<80xi32, #tpu.memory_space<hbm>>
        tpu.wait_dma2 semaphore(%arg8 : memref<!tpu.dma_semaphore, #tpu.memory_space<semaphore_mem>>) src(%dma_wait3A_387 : memref<80xi32, #tpu.memory_space<hbm>>) dst(%dma_wait3A_385 : memref<80xi32, #tpu.memory_space<vmem>>)
        %dma_start3A_388 = arith.constant 0 : i32
        %dma_start3A_389 = arith.constant 0 : i32
        %dma_start3A_390 = arith.constant 0 : i32
        %dma_start3A_391 = arith.constant 0 : i32
        %dma_start3A_392 = tpu.memref_slice %arg6[%dma_start3A_389, %dma_start3A_390, %dma_start3A_391] : memref<4x80x128xf32, #tpu.memory_space<vmem>> -> memref<1x80x128xf32, #tpu.memory_space<vmem>>
        %dma_start3A_393 = tpu.memref_squeeze %dma_start3A_392 : memref<1x80x128xf32, #tpu.memory_space<vmem>> -> memref<80x128xf32, #tpu.memory_space<vmem>>
        %dma_start3A_394 = arith.constant 0 : i32
        %dma_start3A_395 = tpu.memref_slice %arg5[%dma_start3A_388, %dma_start3A_394] : memref<4x80xi32, #tpu.memory_space<vmem>> -> memref<1x80xi32, #tpu.memory_space<vmem>>
        %dma_start3A_396 = tpu.memref_squeeze %dma_start3A_395 : memref<1x80xi32, #tpu.memory_space<vmem>> -> memref<80xi32, #tpu.memory_space<vmem>>
        %dma_start3A_397 = arith.constant 0 : i32
        %dma_start3A_398 = arith.constant 0 : i32
        %dma_start3A_399 = tpu.memref_slice %arg7[%dma_start3A_397, %dma_start3A_398] : memref<87x128xf32, #tpu.memory_space<vmem_shared>> -> memref<87x128xf32, #tpu.memory_space<vmem_shared>>
        tpu.enqueue_indirect_dma source(%dma_start3A_399 : memref<87x128xf32, #tpu.memory_space<vmem_shared>>) target(%dma_start3A_393 : memref<80x128xf32, #tpu.memory_space<vmem>>) offsets(%dma_start3A_396 : memref<80xi32, #tpu.memory_space<vmem>>) semaphore(%arg12 : memref<!tpu.dma_semaphore, #tpu.memory_space<semaphore_mem>>)
      } else {
      }
      %dma_wait3A_285 = arith.constant 2 : i32
      %dma_wait3A_286 = arith.constant 2 : i32
      %dma_wait3A_287 = arith.constant 0 : i32
      %dma_wait3A_288 = arith.constant 0 : i32
      %dma_wait3A_289 = tpu.memref_slice %arg6[%dma_wait3A_286, %dma_wait3A_287, %dma_wait3A_288] : memref<4x80x128xf32, #tpu.memory_space<vmem>> -> memref<1x80x128xf32, #tpu.memory_space<vmem>>
      %dma_wait3A_290 = tpu.memref_squeeze %dma_wait3A_289 : memref<1x80x128xf32, #tpu.memory_space<vmem>> -> memref<80x128xf32, #tpu.memory_space<vmem>>
      %dma_wait3A_291 = arith.constant 0 : i32
      %dma_wait3A_292 = tpu.memref_slice %arg5[%dma_wait3A_285, %dma_wait3A_291] : memref<4x80xi32, #tpu.memory_space<vmem>> -> memref<1x80xi32, #tpu.memory_space<vmem>>
      %dma_wait3A_293 = tpu.memref_squeeze %dma_wait3A_292 : memref<1x80xi32, #tpu.memory_space<vmem>> -> memref<80xi32, #tpu.memory_space<vmem>>
      %dma_wait3A_294 = arith.constant 0 : i32
      %dma_wait3A_295 = arith.constant 0 : i32
      %dma_wait3A_296 = tpu.memref_slice %arg7[%dma_wait3A_294, %dma_wait3A_295] : memref<87x128xf32, #tpu.memory_space<vmem_shared>> -> memref<87x128xf32, #tpu.memory_space<vmem_shared>>
      tpu.wait_indirect_dma semaphore(%arg14 : memref<!tpu.dma_semaphore, #tpu.memory_space<semaphore_mem>>) src(%dma_wait3A_296 : memref<87x128xf32, #tpu.memory_space<vmem_shared>>) dst(%dma_wait3A_290 : memref<80x128xf32, #tpu.memory_space<vmem>>)
      %mul3A_297 = arith.constant 32 : i32
      %mul3A_298 = arith.muli %add3A_277, %mul3A_297 : i32
      %add3A_299 = arith.addi %add3A, %mul3A_298 : i32
      %min3A_300 = arith.minsi %add3A_299, %add3A_8 : i32
      %mul3A_301 = arith.constant 80 : i32
      %mul3A_302 = arith.muli %min3A_300, %mul3A_301 : i32
      %dma_start3A_303 = arith.constant 2 : i32
      %dma_start3A_304 = arith.constant 0 : i32
      %dma_start3A_305 = arith.constant 0 : i32
      %dma_start3A_306 = tpu.memref_slice %arg6[%dma_start3A_303, %dma_start3A_304, %dma_start3A_305] : memref<4x80x128xf32, #tpu.memory_space<vmem>> -> memref<1x80x128xf32, #tpu.memory_space<vmem>>
      %dma_start3A_307 = tpu.memref_squeeze %dma_start3A_306 : memref<1x80x128xf32, #tpu.memory_space<vmem>> -> memref<80x128xf32, #tpu.memory_space<vmem>>
      %dma_start3A_308 = arith.constant 0 : i32
      %dma_start3A_309 = tpu.memref_slice %arg4[%mul3A_302, %dma_start3A_308] : memref<500000x128xf32, #tpu.memory_space<hbm>> -> memref<80x128xf32, #tpu.memory_space<hbm>>
      %dma_start3A_310 = arith.constant 0 : i32
      %dma_start3A_311 = tpu.memref_slice %arg4[%mul3A_302, %dma_start3A_310] : memref<500000x128xf32, #tpu.memory_space<hbm>> -> memref<80x128xf32, #tpu.memory_space<hbm>>
      %dma_start3A_312 = arith.constant 0 : i32
      %dma_start3A_313 = arith.constant 0 : i32
      %dma_start3A_314 = tpu.memref_slice %arg6[%dma_start3A_303, %dma_start3A_312, %dma_start3A_313] : memref<4x80x128xf32, #tpu.memory_space<vmem>> -> memref<1x80x128xf32, #tpu.memory_space<vmem>>
      %dma_start3A_315 = tpu.memref_squeeze %dma_start3A_314 : memref<1x80x128xf32, #tpu.memory_space<vmem>> -> memref<80x128xf32, #tpu.memory_space<vmem>>
      tpu.enqueue_dma source(%dma_start3A_315 : memref<80x128xf32, #tpu.memory_space<vmem>>) target(%dma_start3A_311 : memref<80x128xf32, #tpu.memory_space<hbm>>) target_semaphore(%arg18 : memref<!tpu.dma_semaphore, #tpu.memory_space<semaphore_mem>>)
      %add3A_316 = arith.constant 4 : i32
      %add3A_317 = arith.addi %add3A_277, %add3A_316 : i32
      %lt3A_318 = arith.constant 196 : i32
      %lt3A_319 = arith.cmpi slt, %add3A_317, %lt3A_318 : i32
      %convert_element_type3A_320 = arith.extui %lt3A_319 : i1 to i32
      %cond3A_321 = arith.constant 0 : i32
      %cond3A_322 = arith.cmpi ne, %convert_element_type3A_320, %cond3A_321 : i32
      scf.if %cond3A_322 {
        %add3A_372 = arith.constant 4 : i32
        %add3A_373 = arith.addi %add3A_277, %add3A_372 : i32
        %mul3A_374 = arith.constant 32 : i32
        %mul3A_375 = arith.muli %add3A_373, %mul3A_374 : i32
        %add3A_376 = arith.addi %add3A, %mul3A_375 : i32
        %min3A_377 = arith.minsi %add3A_376, %add3A_8 : i32
        %mul3A_378 = arith.constant 80 : i32
        %mul3A_379 = arith.muli %min3A_377, %mul3A_378 : i32
        %dma_start3A_380 = arith.constant 2 : i32
        %dma_start3A_381 = arith.constant 0 : i32
        %dma_start3A_382 = tpu.memref_slice %arg5[%dma_start3A_380, %dma_start3A_381] : memref<4x80xi32, #tpu.memory_space<vmem>> -> memref<1x80xi32, #tpu.memory_space<vmem>>
        %dma_start3A_383 = tpu.memref_squeeze %dma_start3A_382 : memref<1x80xi32, #tpu.memory_space<vmem>> -> memref<80xi32, #tpu.memory_space<vmem>>
        %dma_start3A_384 = tpu.memref_slice %arg2[%mul3A_379] : memref<500000xi32, #tpu.memory_space<hbm>> -> memref<80xi32, #tpu.memory_space<hbm>>
        %dma_start3A_385 = arith.constant 0 : i32
        %dma_start3A_386 = tpu.memref_slice %arg5[%dma_start3A_380, %dma_start3A_385] : memref<4x80xi32, #tpu.memory_space<vmem>> -> memref<1x80xi32, #tpu.memory_space<vmem>>
        %dma_start3A_387 = tpu.memref_squeeze %dma_start3A_386 : memref<1x80xi32, #tpu.memory_space<vmem>> -> memref<80xi32, #tpu.memory_space<vmem>>
        %dma_start3A_388 = tpu.memref_slice %arg2[%mul3A_379] : memref<500000xi32, #tpu.memory_space<hbm>> -> memref<80xi32, #tpu.memory_space<hbm>>
        tpu.enqueue_dma source(%dma_start3A_388 : memref<80xi32, #tpu.memory_space<hbm>>) target(%dma_start3A_387 : memref<80xi32, #tpu.memory_space<vmem>>) target_semaphore(%arg10 : memref<!tpu.dma_semaphore, #tpu.memory_space<semaphore_mem>>)
      } else {
      }
      %mul3A_323 = arith.constant 4 : i32
      %mul3A_324 = arith.muli %mul3A_323, %scan3A_175 : i32
      %add3A_325 = arith.constant 3 : i32
      %add3A_326 = arith.addi %mul3A_324, %add3A_325 : i32
      %add3A_327 = arith.constant 2 : i32
      %add3A_328 = arith.addi %add3A_326, %add3A_327 : i32
      %lt3A_329 = arith.constant 196 : i32
      %lt3A_330 = arith.cmpi slt, %add3A_328, %lt3A_329 : i32
      %convert_element_type3A_331 = arith.extui %lt3A_330 : i1 to i32
      %cond3A_332 = arith.constant 0 : i32
      %cond3A_333 = arith.cmpi ne, %convert_element_type3A_331, %cond3A_332 : i32
      scf.if %cond3A_333 {
        %gt3A = arith.constant 0 : i32
        %gt3A_372 = arith.cmpi sgt, %scan3A_175, %gt3A : i32
        %or3A = arith.constant true
        %or3A_373 = arith.ori %gt3A_372, %or3A : i1
        %convert_element_type3A_374 = arith.extui %or3A_373 : i1 to i32
        %cond3A_375 = arith.constant 0 : i32
        %cond3A_376 = arith.cmpi ne, %convert_element_type3A_374, %cond3A_375 : i32
        scf.if %cond3A_376 {
          %dma_wait3A_400 = arith.constant 1 : i32
          %dma_wait3A_401 = arith.constant 0 : i32
          %dma_wait3A_402 = arith.constant 0 : i32
          %dma_wait3A_403 = tpu.memref_slice %arg6[%dma_wait3A_400, %dma_wait3A_401, %dma_wait3A_402] : memref<4x80x128xf32, #tpu.memory_space<vmem>> -> memref<1x80x128xf32, #tpu.memory_space<vmem>>
          %dma_wait3A_404 = tpu.memref_squeeze %dma_wait3A_403 : memref<1x80x128xf32, #tpu.memory_space<vmem>> -> memref<80x128xf32, #tpu.memory_space<vmem>>
          %dma_wait3A_405 = arith.constant 0 : i32
          %dma_wait3A_406 = arith.constant 0 : i32
          %dma_wait3A_407 = tpu.memref_slice %arg4[%dma_wait3A_405, %dma_wait3A_406] : memref<500000x128xf32, #tpu.memory_space<hbm>> -> memref<80x128xf32, #tpu.memory_space<hbm>>
          %dma_wait3A_408 = arith.constant 0 : i32
          %dma_wait3A_409 = arith.constant 0 : i32
          %dma_wait3A_410 = tpu.memref_slice %arg4[%dma_wait3A_408, %dma_wait3A_409] : memref<500000x128xf32, #tpu.memory_space<hbm>> -> memref<80x128xf32, #tpu.memory_space<hbm>>
          %dma_wait3A_411 = arith.constant 0 : i32
          %dma_wait3A_412 = arith.constant 0 : i32
          %dma_wait3A_413 = tpu.memref_slice %arg6[%dma_wait3A_400, %dma_wait3A_411, %dma_wait3A_412] : memref<4x80x128xf32, #tpu.memory_space<vmem>> -> memref<1x80x128xf32, #tpu.memory_space<vmem>>
          %dma_wait3A_414 = tpu.memref_squeeze %dma_wait3A_413 : memref<1x80x128xf32, #tpu.memory_space<vmem>> -> memref<80x128xf32, #tpu.memory_space<vmem>>
          tpu.wait_dma2 semaphore(%arg17 : memref<!tpu.dma_semaphore, #tpu.memory_space<semaphore_mem>>) src(%dma_wait3A_414 : memref<80x128xf32, #tpu.memory_space<vmem>>) dst(%dma_wait3A_410 : memref<80x128xf32, #tpu.memory_space<hbm>>)
        } else {
        }
        %dma_wait3A_377 = arith.constant 1 : i32
        %dma_wait3A_378 = arith.constant 0 : i32
        %dma_wait3A_379 = tpu.memref_slice %arg5[%dma_wait3A_377, %dma_wait3A_378] : memref<4x80xi32, #tpu.memory_space<vmem>> -> memref<1x80xi32, #tpu.memory_space<vmem>>
        %dma_wait3A_380 = tpu.memref_squeeze %dma_wait3A_379 : memref<1x80xi32, #tpu.memory_space<vmem>> -> memref<80xi32, #tpu.memory_space<vmem>>
        %dma_wait3A_381 = arith.constant 0 : i32
        %dma_wait3A_382 = tpu.memref_slice %arg2[%dma_wait3A_381] : memref<500000xi32, #tpu.memory_space<hbm>> -> memref<80xi32, #tpu.memory_space<hbm>>
        %dma_wait3A_383 = arith.constant 0 : i32
        %dma_wait3A_384 = tpu.memref_slice %arg5[%dma_wait3A_377, %dma_wait3A_383] : memref<4x80xi32, #tpu.memory_space<vmem>> -> memref<1x80xi32, #tpu.memory_space<vmem>>
        %dma_wait3A_385 = tpu.memref_squeeze %dma_wait3A_384 : memref<1x80xi32, #tpu.memory_space<vmem>> -> memref<80xi32, #tpu.memory_space<vmem>>
        %dma_wait3A_386 = arith.constant 0 : i32
        %dma_wait3A_387 = tpu.memref_slice %arg2[%dma_wait3A_386] : memref<500000xi32, #tpu.memory_space<hbm>> -> memref<80xi32, #tpu.memory_space<hbm>>
        tpu.wait_dma2 semaphore(%arg9 : memref<!tpu.dma_semaphore, #tpu.memory_space<semaphore_mem>>) src(%dma_wait3A_387 : memref<80xi32, #tpu.memory_space<hbm>>) dst(%dma_wait3A_385 : memref<80xi32, #tpu.memory_space<vmem>>)
        %dma_start3A_388 = arith.constant 1 : i32
        %dma_start3A_389 = arith.constant 1 : i32
        %dma_start3A_390 = arith.constant 0 : i32
        %dma_start3A_391 = arith.constant 0 : i32
        %dma_start3A_392 = tpu.memref_slice %arg6[%dma_start3A_389, %dma_start3A_390, %dma_start3A_391] : memref<4x80x128xf32, #tpu.memory_space<vmem>> -> memref<1x80x128xf32, #tpu.memory_space<vmem>>
        %dma_start3A_393 = tpu.memref_squeeze %dma_start3A_392 : memref<1x80x128xf32, #tpu.memory_space<vmem>> -> memref<80x128xf32, #tpu.memory_space<vmem>>
        %dma_start3A_394 = arith.constant 0 : i32
        %dma_start3A_395 = tpu.memref_slice %arg5[%dma_start3A_388, %dma_start3A_394] : memref<4x80xi32, #tpu.memory_space<vmem>> -> memref<1x80xi32, #tpu.memory_space<vmem>>
        %dma_start3A_396 = tpu.memref_squeeze %dma_start3A_395 : memref<1x80xi32, #tpu.memory_space<vmem>> -> memref<80xi32, #tpu.memory_space<vmem>>
        %dma_start3A_397 = arith.constant 0 : i32
        %dma_start3A_398 = arith.constant 0 : i32
        %dma_start3A_399 = tpu.memref_slice %arg7[%dma_start3A_397, %dma_start3A_398] : memref<87x128xf32, #tpu.memory_space<vmem_shared>> -> memref<87x128xf32, #tpu.memory_space<vmem_shared>>
        tpu.enqueue_indirect_dma source(%dma_start3A_399 : memref<87x128xf32, #tpu.memory_space<vmem_shared>>) target(%dma_start3A_393 : memref<80x128xf32, #tpu.memory_space<vmem>>) offsets(%dma_start3A_396 : memref<80xi32, #tpu.memory_space<vmem>>) semaphore(%arg13 : memref<!tpu.dma_semaphore, #tpu.memory_space<semaphore_mem>>)
      } else {
      }
      %dma_wait3A_334 = arith.constant 3 : i32
      %dma_wait3A_335 = arith.constant 3 : i32
      %dma_wait3A_336 = arith.constant 0 : i32
      %dma_wait3A_337 = arith.constant 0 : i32
      %dma_wait3A_338 = tpu.memref_slice %arg6[%dma_wait3A_335, %dma_wait3A_336, %dma_wait3A_337] : memref<4x80x128xf32, #tpu.memory_space<vmem>> -> memref<1x80x128xf32, #tpu.memory_space<vmem>>
      %dma_wait3A_339 = tpu.memref_squeeze %dma_wait3A_338 : memref<1x80x128xf32, #tpu.memory_space<vmem>> -> memref<80x128xf32, #tpu.memory_space<vmem>>
      %dma_wait3A_340 = arith.constant 0 : i32
      %dma_wait3A_341 = tpu.memref_slice %arg5[%dma_wait3A_334, %dma_wait3A_340] : memref<4x80xi32, #tpu.memory_space<vmem>> -> memref<1x80xi32, #tpu.memory_space<vmem>>
      %dma_wait3A_342 = tpu.memref_squeeze %dma_wait3A_341 : memref<1x80xi32, #tpu.memory_space<vmem>> -> memref<80xi32, #tpu.memory_space<vmem>>
      %dma_wait3A_343 = arith.constant 0 : i32
      %dma_wait3A_344 = arith.constant 0 : i32
      %dma_wait3A_345 = tpu.memref_slice %arg7[%dma_wait3A_343, %dma_wait3A_344] : memref<87x128xf32, #tpu.memory_space<vmem_shared>> -> memref<87x128xf32, #tpu.memory_space<vmem_shared>>
      tpu.wait_indirect_dma semaphore(%arg15 : memref<!tpu.dma_semaphore, #tpu.memory_space<semaphore_mem>>) src(%dma_wait3A_345 : memref<87x128xf32, #tpu.memory_space<vmem_shared>>) dst(%dma_wait3A_339 : memref<80x128xf32, #tpu.memory_space<vmem>>)
      %mul3A_346 = arith.constant 32 : i32
      %mul3A_347 = arith.muli %add3A_326, %mul3A_346 : i32
      %add3A_348 = arith.addi %add3A, %mul3A_347 : i32
      %min3A_349 = arith.minsi %add3A_348, %add3A_8 : i32
      %mul3A_350 = arith.constant 80 : i32
      %mul3A_351 = arith.muli %min3A_349, %mul3A_350 : i32
      %dma_start3A_352 = arith.constant 3 : i32
      %dma_start3A_353 = arith.constant 0 : i32
      %dma_start3A_354 = arith.constant 0 : i32
      %dma_start3A_355 = tpu.memref_slice %arg6[%dma_start3A_352, %dma_start3A_353, %dma_start3A_354] : memref<4x80x128xf32, #tpu.memory_space<vmem>> -> memref<1x80x128xf32, #tpu.memory_space<vmem>>
      %dma_start3A_356 = tpu.memref_squeeze %dma_start3A_355 : memref<1x80x128xf32, #tpu.memory_space<vmem>> -> memref<80x128xf32, #tpu.memory_space<vmem>>
      %dma_start3A_357 = arith.constant 0 : i32
      %dma_start3A_358 = tpu.memref_slice %arg4[%mul3A_351, %dma_start3A_357] : memref<500000x128xf32, #tpu.memory_space<hbm>> -> memref<80x128xf32, #tpu.memory_space<hbm>>
      %dma_start3A_359 = arith.constant 0 : i32
      %dma_start3A_360 = tpu.memref_slice %arg4[%mul3A_351, %dma_start3A_359] : memref<500000x128xf32, #tpu.memory_space<hbm>> -> memref<80x128xf32, #tpu.memory_space<hbm>>
      %dma_start3A_361 = arith.constant 0 : i32
      %dma_start3A_362 = arith.constant 0 : i32
      %dma_start3A_363 = tpu.memref_slice %arg6[%dma_start3A_352, %dma_start3A_361, %dma_start3A_362] : memref<4x80x128xf32, #tpu.memory_space<vmem>> -> memref<1x80x128xf32, #tpu.memory_space<vmem>>
      %dma_start3A_364 = tpu.memref_squeeze %dma_start3A_363 : memref<1x80x128xf32, #tpu.memory_space<vmem>> -> memref<80x128xf32, #tpu.memory_space<vmem>>
      tpu.enqueue_dma source(%dma_start3A_364 : memref<80x128xf32, #tpu.memory_space<vmem>>) target(%dma_start3A_360 : memref<80x128xf32, #tpu.memory_space<hbm>>) target_semaphore(%arg19 : memref<!tpu.dma_semaphore, #tpu.memory_space<semaphore_mem>>)
      %add3A_365 = arith.constant 4 : i32
      %add3A_366 = arith.addi %add3A_326, %add3A_365 : i32
      %lt3A_367 = arith.constant 196 : i32
      %lt3A_368 = arith.cmpi slt, %add3A_366, %lt3A_367 : i32
      %convert_element_type3A_369 = arith.extui %lt3A_368 : i1 to i32
      %cond3A_370 = arith.constant 0 : i32
      %cond3A_371 = arith.cmpi ne, %convert_element_type3A_369, %cond3A_370 : i32
      scf.if %cond3A_371 {
        %add3A_372 = arith.constant 4 : i32
        %add3A_373 = arith.addi %add3A_326, %add3A_372 : i32
        %mul3A_374 = arith.constant 32 : i32
        %mul3A_375 = arith.muli %add3A_373, %mul3A_374 : i32
        %add3A_376 = arith.addi %add3A, %mul3A_375 : i32
        %min3A_377 = arith.minsi %add3A_376, %add3A_8 : i32
        %mul3A_378 = arith.constant 80 : i32
        %mul3A_379 = arith.muli %min3A_377, %mul3A_378 : i32
        %dma_start3A_380 = arith.constant 3 : i32
        %dma_start3A_381 = arith.constant 0 : i32
        %dma_start3A_382 = tpu.memref_slice %arg5[%dma_start3A_380, %dma_start3A_381] : memref<4x80xi32, #tpu.memory_space<vmem>> -> memref<1x80xi32, #tpu.memory_space<vmem>>
        %dma_start3A_383 = tpu.memref_squeeze %dma_start3A_382 : memref<1x80xi32, #tpu.memory_space<vmem>> -> memref<80xi32, #tpu.memory_space<vmem>>
        %dma_start3A_384 = tpu.memref_slice %arg2[%mul3A_379] : memref<500000xi32, #tpu.memory_space<hbm>> -> memref<80xi32, #tpu.memory_space<hbm>>
        %dma_start3A_385 = arith.constant 0 : i32
        %dma_start3A_386 = tpu.memref_slice %arg5[%dma_start3A_380, %dma_start3A_385] : memref<4x80xi32, #tpu.memory_space<vmem>> -> memref<1x80xi32, #tpu.memory_space<vmem>>
        %dma_start3A_387 = tpu.memref_squeeze %dma_start3A_386 : memref<1x80xi32, #tpu.memory_space<vmem>> -> memref<80xi32, #tpu.memory_space<vmem>>
        %dma_start3A_388 = tpu.memref_slice %arg2[%mul3A_379] : memref<500000xi32, #tpu.memory_space<hbm>> -> memref<80xi32, #tpu.memory_space<hbm>>
        tpu.enqueue_dma source(%dma_start3A_388 : memref<80xi32, #tpu.memory_space<hbm>>) target(%dma_start3A_387 : memref<80xi32, #tpu.memory_space<vmem>>) target_semaphore(%arg11 : memref<!tpu.dma_semaphore, #tpu.memory_space<semaphore_mem>>)
      } else {
      }
    }
    %scan3A_114 = arith.constant 49 : i32
    %dma_wait3A_115 = arith.constant 0 : i32
    %dma_wait3A_116 = arith.constant 0 : i32
    %dma_wait3A_117 = arith.constant 0 : i32
    %dma_wait3A_118 = tpu.memref_slice %arg6[%dma_wait3A_115, %dma_wait3A_116, %dma_wait3A_117] : memref<4x80x128xf32, #tpu.memory_space<vmem>> -> memref<1x80x128xf32, #tpu.memory_space<vmem>>
    %dma_wait3A_119 = tpu.memref_squeeze %dma_wait3A_118 : memref<1x80x128xf32, #tpu.memory_space<vmem>> -> memref<80x128xf32, #tpu.memory_space<vmem>>
    %dma_wait3A_120 = arith.constant 0 : i32
    %dma_wait3A_121 = arith.constant 0 : i32
    %dma_wait3A_122 = tpu.memref_slice %arg4[%dma_wait3A_120, %dma_wait3A_121] : memref<500000x128xf32, #tpu.memory_space<hbm>> -> memref<80x128xf32, #tpu.memory_space<hbm>>
    %dma_wait3A_123 = arith.constant 0 : i32
    %dma_wait3A_124 = arith.constant 0 : i32
    %dma_wait3A_125 = tpu.memref_slice %arg4[%dma_wait3A_123, %dma_wait3A_124] : memref<500000x128xf32, #tpu.memory_space<hbm>> -> memref<80x128xf32, #tpu.memory_space<hbm>>
    %dma_wait3A_126 = arith.constant 0 : i32
    %dma_wait3A_127 = arith.constant 0 : i32
    %dma_wait3A_128 = tpu.memref_slice %arg6[%dma_wait3A_115, %dma_wait3A_126, %dma_wait3A_127] : memref<4x80x128xf32, #tpu.memory_space<vmem>> -> memref<1x80x128xf32, #tpu.memory_space<vmem>>
    %dma_wait3A_129 = tpu.memref_squeeze %dma_wait3A_128 : memref<1x80x128xf32, #tpu.memory_space<vmem>> -> memref<80x128xf32, #tpu.memory_space<vmem>>
    tpu.wait_dma2 semaphore(%arg16 : memref<!tpu.dma_semaphore, #tpu.memory_space<semaphore_mem>>) src(%dma_wait3A_129 : memref<80x128xf32, #tpu.memory_space<vmem>>) dst(%dma_wait3A_125 : memref<80x128xf32, #tpu.memory_space<hbm>>)
    %dma_wait3A_130 = arith.constant 1 : i32
    %dma_wait3A_131 = arith.constant 0 : i32
    %dma_wait3A_132 = arith.constant 0 : i32
    %dma_wait3A_133 = tpu.memref_slice %arg6[%dma_wait3A_130, %dma_wait3A_131, %dma_wait3A_132] : memref<4x80x128xf32, #tpu.memory_space<vmem>> -> memref<1x80x128xf32, #tpu.memory_space<vmem>>
    %dma_wait3A_134 = tpu.memref_squeeze %dma_wait3A_133 : memref<1x80x128xf32, #tpu.memory_space<vmem>> -> memref<80x128xf32, #tpu.memory_space<vmem>>
    %dma_wait3A_135 = arith.constant 0 : i32
    %dma_wait3A_136 = arith.constant 0 : i32
    %dma_wait3A_137 = tpu.memref_slice %arg4[%dma_wait3A_135, %dma_wait3A_136] : memref<500000x128xf32, #tpu.memory_space<hbm>> -> memref<80x128xf32, #tpu.memory_space<hbm>>
    %dma_wait3A_138 = arith.constant 0 : i32
    %dma_wait3A_139 = arith.constant 0 : i32
    %dma_wait3A_140 = tpu.memref_slice %arg4[%dma_wait3A_138, %dma_wait3A_139] : memref<500000x128xf32, #tpu.memory_space<hbm>> -> memref<80x128xf32, #tpu.memory_space<hbm>>
    %dma_wait3A_141 = arith.constant 0 : i32
    %dma_wait3A_142 = arith.constant 0 : i32
    %dma_wait3A_143 = tpu.memref_slice %arg6[%dma_wait3A_130, %dma_wait3A_141, %dma_wait3A_142] : memref<4x80x128xf32, #tpu.memory_space<vmem>> -> memref<1x80x128xf32, #tpu.memory_space<vmem>>
    %dma_wait3A_144 = tpu.memref_squeeze %dma_wait3A_143 : memref<1x80x128xf32, #tpu.memory_space<vmem>> -> memref<80x128xf32, #tpu.memory_space<vmem>>
    tpu.wait_dma2 semaphore(%arg17 : memref<!tpu.dma_semaphore, #tpu.memory_space<semaphore_mem>>) src(%dma_wait3A_144 : memref<80x128xf32, #tpu.memory_space<vmem>>) dst(%dma_wait3A_140 : memref<80x128xf32, #tpu.memory_space<hbm>>)
    %dma_wait3A_145 = arith.constant 2 : i32
    %dma_wait3A_146 = arith.constant 0 : i32
    %dma_wait3A_147 = arith.constant 0 : i32
    %dma_wait3A_148 = tpu.memref_slice %arg6[%dma_wait3A_145, %dma_wait3A_146, %dma_wait3A_147] : memref<4x80x128xf32, #tpu.memory_space<vmem>> -> memref<1x80x128xf32, #tpu.memory_space<vmem>>
    %dma_wait3A_149 = tpu.memref_squeeze %dma_wait3A_148 : memref<1x80x128xf32, #tpu.memory_space<vmem>> -> memref<80x128xf32, #tpu.memory_space<vmem>>
    %dma_wait3A_150 = arith.constant 0 : i32
    %dma_wait3A_151 = arith.constant 0 : i32
    %dma_wait3A_152 = tpu.memref_slice %arg4[%dma_wait3A_150, %dma_wait3A_151] : memref<500000x128xf32, #tpu.memory_space<hbm>> -> memref<80x128xf32, #tpu.memory_space<hbm>>
    %dma_wait3A_153 = arith.constant 0 : i32
    %dma_wait3A_154 = arith.constant 0 : i32
    %dma_wait3A_155 = tpu.memref_slice %arg4[%dma_wait3A_153, %dma_wait3A_154] : memref<500000x128xf32, #tpu.memory_space<hbm>> -> memref<80x128xf32, #tpu.memory_space<hbm>>
    %dma_wait3A_156 = arith.constant 0 : i32
    %dma_wait3A_157 = arith.constant 0 : i32
    %dma_wait3A_158 = tpu.memref_slice %arg6[%dma_wait3A_145, %dma_wait3A_156, %dma_wait3A_157] : memref<4x80x128xf32, #tpu.memory_space<vmem>> -> memref<1x80x128xf32, #tpu.memory_space<vmem>>
    %dma_wait3A_159 = tpu.memref_squeeze %dma_wait3A_158 : memref<1x80x128xf32, #tpu.memory_space<vmem>> -> memref<80x128xf32, #tpu.memory_space<vmem>>
    tpu.wait_dma2 semaphore(%arg18 : memref<!tpu.dma_semaphore, #tpu.memory_space<semaphore_mem>>) src(%dma_wait3A_159 : memref<80x128xf32, #tpu.memory_space<vmem>>) dst(%dma_wait3A_155 : memref<80x128xf32, #tpu.memory_space<hbm>>)
    %dma_wait3A_160 = arith.constant 3 : i32
    %dma_wait3A_161 = arith.constant 0 : i32
    %dma_wait3A_162 = arith.constant 0 : i32
    %dma_wait3A_163 = tpu.memref_slice %arg6[%dma_wait3A_160, %dma_wait3A_161, %dma_wait3A_162] : memref<4x80x128xf32, #tpu.memory_space<vmem>> -> memref<1x80x128xf32, #tpu.memory_space<vmem>>
    %dma_wait3A_164 = tpu.memref_squeeze %dma_wait3A_163 : memref<1x80x128xf32, #tpu.memory_space<vmem>> -> memref<80x128xf32, #tpu.memory_space<vmem>>
    %dma_wait3A_165 = arith.constant 0 : i32
    %dma_wait3A_166 = arith.constant 0 : i32
    %dma_wait3A_167 = tpu.memref_slice %arg4[%dma_wait3A_165, %dma_wait3A_166] : memref<500000x128xf32, #tpu.memory_space<hbm>> -> memref<80x128xf32, #tpu.memory_space<hbm>>
    %dma_wait3A_168 = arith.constant 0 : i32
    %dma_wait3A_169 = arith.constant 0 : i32
    %dma_wait3A_170 = tpu.memref_slice %arg4[%dma_wait3A_168, %dma_wait3A_169] : memref<500000x128xf32, #tpu.memory_space<hbm>> -> memref<80x128xf32, #tpu.memory_space<hbm>>
    %dma_wait3A_171 = arith.constant 0 : i32
    %dma_wait3A_172 = arith.constant 0 : i32
    %dma_wait3A_173 = tpu.memref_slice %arg6[%dma_wait3A_160, %dma_wait3A_171, %dma_wait3A_172] : memref<4x80x128xf32, #tpu.memory_space<vmem>> -> memref<1x80x128xf32, #tpu.memory_space<vmem>>
    %dma_wait3A_174 = tpu.memref_squeeze %dma_wait3A_173 : memref<1x80x128xf32, #tpu.memory_space<vmem>> -> memref<80x128xf32, #tpu.memory_space<vmem>>
    tpu.wait_dma2 semaphore(%arg19 : memref<!tpu.dma_semaphore, #tpu.memory_space<semaphore_mem>>) src(%dma_wait3A_174 : memref<80x128xf32, #tpu.memory_space<vmem>>) dst(%dma_wait3A_170 : memref<80x128xf32, #tpu.memory_space<hbm>>)
    return
  }
}

module attributes {stable_mosaic.version = 14 : i64} {
  func.func @_table_body(%arg0: memref<87x20xf32, #tpu.memory_space<vmem>>, %arg1: memref<20x128xf32, #tpu.memory_space<vmem>>, %arg2: memref<87x128xf32, #tpu.memory_space<vmem>>, %arg3: memref<87x128xf32, #tpu.memory_space<vmem>>) attributes {dimension_semantics = [], scalar_prefetch = 0 : i64, scratch_operands = 0 : i64, tpu.core_type = #tpu.core_type<tc>} {
    %get3A = arith.constant 0 : index
    %get3A_0 = arith.constant 0 : index
    %get3A_1 = vector.load %arg2[%get3A, %get3A_0] : memref<87x128xf32, #tpu.memory_space<vmem>>, vector<87x128xf32>
    %get3A_2 = arith.constant 0 : index
    %get3A_3 = arith.constant 0 : index
    %get3A_4 = vector.load %arg0[%get3A_2, %get3A_3] : memref<87x20xf32, #tpu.memory_space<vmem>>, vector<87x20xf32>
    %get3A_5 = arith.constant 0 : index
    %get3A_6 = arith.constant 0 : index
    %get3A_7 = vector.load %arg1[%get3A_5, %get3A_6] : memref<20x128xf32, #tpu.memory_space<vmem>>, vector<20x128xf32>
    %dot_general3A = arith.constant dense<0.000000e+00> : vector<87x128xf32>
    %dot_general3A_8 = tpu.matmul %get3A_4, %get3A_7, %dot_general3A {dimension_numbers = #tpu.dot_dimension_numbers<[1], [0], [0], [1], [0, 0, 1, 1], [], []>, transpose_lhs_hint = false} : vector<87x20xf32>, vector<20x128xf32>, vector<87x128xf32> -> vector<87x128xf32>
    %add3A = arith.addf %get3A_1, %dot_general3A_8 : vector<87x128xf32>
    %swap3A = arith.constant 0 : index
    %swap3A_9 = arith.constant 0 : index
    %swap3A_10 = vector.load %arg3[%swap3A, %swap3A_9] : memref<87x128xf32, #tpu.memory_space<vmem>>, vector<87x128xf32>
    tpu.vector_store %arg3[%swap3A, %swap3A_9], %add3A {strides = array<i32>} : memref<87x128xf32, #tpu.memory_space<vmem>>, vector<87x128xf32>,
    return
  }
}

</mosaic_0001>

<sc_bundles>
// kernel: kernel.4.cloned.1.call-start
scs
__scs_entry_jumppad:
0x0: {  	(pc) =	sbr.rel $0x88, $3  }
0x1: {  	(tag) =	ssettag $0x0;
	lr =	simm.s32 $0x1  }
0x2: {  	[smem:$0x3F9D] =	sst lr;
	_ =	strace $0xD0000000  }
0x3: {  	_ = 	snop  }
0x4: {  	_ = 	snop  }
0x5: {  	_ = 	snop  }
0x6: {  	_ = 	snop  }
0x7: {  	_ = 	snop  }
__scs_overlays_trampoline_lowered:
0x8: {  	[smem:$0x3FAC] =	sst s0  }
0x9: {  	[smem:$0x3FAD] =	sst s1  }
0xa: {  	[smem:$0x3FAE] =	sst s2  }
0xb: {  	[smem:$0x3FAF] =	sst s3  }
0xc: {  	[smem:$0x3FB0] =	sst s4  }
0xd: {  	[smem:$0x3FB1] =	sst s5  }
0xe: {  	[smem:$0x3FB2] =	sst s6  }
0xf: {  	[smem:$0x3FB3] =	sst s7  }
0x10: {  	[smem:$0x3FB4] =	sst s8  }
0x11: {  	[smem:$0x3FB5] =	sst s9;
	s0 =	simm.s32 @!p0 $0x0  }
0x12: {  	s1 =	sld [smem:$0x3F9B];
	s0 =	simm.s32 @p0 $0x1  }
0x13: {  	[smem:$0x3FB6] =	sst s0;
	s0 =	simm.s32 @!p1 $0x0  }
0x14: {  	s2 =	sld [smem:$0x3F9A];
	s0 =	simm.s32 @p1 $0x1  }
0x15: {  	[smem:$0x3FB7] =	sst s0;
	s0 =	simm.s32 @!p2 $0x0  }
0x16: {  	s3 =	sld [smem:$0x3FDB];
	s0 =	simm.s32 @p2 $0x1  }
0x17: {  	s4 =	simm.s32 $0x1BF5;
	[smem:$0x3FB9] =	sst s0  }
0x18: {  	s0 =	sld [smem:$0x3F9C];
	_ =	swait.ge [sflag:s4], $0x0  }
0x19: {  	s7 =	sld [smem:$0x3F9D]  }
0x1a: {  	s8 =	sadd.s32 $0xFFFFE003, lr  }
0x1b: {  	s9 =	sadd.s32 $0xFFFFFEF7, lr;
	s5 =	simm.s32 $0xFFFFFFFF;
	p2 =	slt.u32 s8, $0xFFFFF086  }
0x1c: {  	p1 =	slt.u32 s9, $0xF7A;
	s5 =	simm.s32 @!p2 $0x0  }
0x1d: {  	s5 =	simm.s32 @p1 $0x1;
	p0 =	seq.s32 s7, s2  }
0x1e: {  	s7 =	smul.u32 @!p0 $0xF7A, s2;
	p2 =	seq.s32 @!p0 s5, $0x0  }
0x1f: {  	s9 =	smul.u32 $0xF7A, s1;
	s8 =	simm.s32 @!p0 $0x1BF5;
	p2 =	por !p2, p0  }
0x20: {  	[sflag:s8] =	ssyncset.s32 @!p0 $0xFFFFF086;
	s6 =	sadd.s32 @!p0 s3, s7;
	s7 =	simm.s32 @!p0 $0x108  }
0x21: {  	s3 =	sadd.s32 s3, s9;
	s6 =	sadd.s32 @!p0 $0x88, s6;
	s7 =	simm.s32 @p2 $0x1082  }
0x22: {  	[simem:s7], [sflag:s8] =	dma.local @!p0 [hbm:s6], $0xF7A  }
0x23: {  	s9 =	sor.u32 $0xD0000000, s2;
	s6 =	simm.s32 $0x108;
	_ =	swait.ge @!p0 [sflag:s8], $0x0  }
0x24: {  	s3 =	sadd.s32 $0x88, s3;
	s6 =	simm.s32 @!p1 $0x1082;
	[sflag:s4] =	ssyncset.s32 $0xFFFFF086  }
0x25: {  	[simem:s6], [sflag:s4] =	dma.local [hbm:s3], $0xF7A  }
0x26: {  	[smem:$0x3F9D] =	sst s1;
	(tag) =	ssettag s2;
	_ =	strace s9  }
0x27: {  	s1 =	sld [smem:$0x3FAD]  }
0x28: {  	s2 =	sld [smem:$0x3FAE]  }
0x29: {  	s4 =	sld [smem:$0x3FB0]  }
0x2a: {  	p0 =	seq.s32 s5, $0x0;
	s5 =	sld [smem:$0x3FB1]  }
0x2b: {  	s6 =	sld [smem:$0x3FB2]  }
0x2c: {  	s7 =	sld [smem:$0x3FB3]  }
0x2d: {  	s3 =	simm.s32 $0x108;
	s8 =	sld [smem:$0x3FB4]  }
0x2e: {  	s3 =	simm.s32 @!p0 $0x1082;
	s9 =	sld [smem:$0x3FB5]  }
0x2f: {  	lr =	sadd.s32 s0, s3;
	s0 =	sld [smem:$0x3FAC]  }
0x30: {  	s3 =	sld [smem:$0x3FAF]  }
0x31: {  	[smem:$0x3FB8] =	sst s10  }
0x32: {  	s10 =	sld [smem:$0x3FB6];
	_ =	sdelay $0x3  }
0x33: {  	p0 =	seq.s32 s10, $0x1;
	s10 =	sld [smem:$0x3FB8];
	_ =	sdelay $0x3  }
0x34: {  	[smem:$0x3FB8] =	sst s10  }
0x35: {  	s10 =	sld [smem:$0x3FB7];
	_ =	sdelay $0x3  }
0x36: {  	p1 =	seq.s32 s10, $0x1;
	s10 =	sld [smem:$0x3FB8];
	_ =	sdelay $0x3  }
0x37: {  	[smem:$0x3FB8] =	sst s10  }
0x38: {  	s10 =	sld [smem:$0x3FB9]  }
0x39: {  	_ = 	snop;
	(pc) =	sbr.ind lr, $3  }
0x3a: {  	_ = 	snop  }
0x3b: {  	_ = 	snop  }
0x3c: {  	p2 =	seq.s32 s10, $0x1;
	s10 =	sld [smem:$0x3FB8]  }
0x3d: {  	_ =	shalt  }
0x3e: {  	_ =	shalt  }
0x3f: {  	_ =	shalt  }
0x40: {  	_ =	shalt  }
0x41: {  	_ =	shalt  }
0x42: {  	_ =	shalt  }
0x43: {  	_ =	shalt  }
0x44: {  	_ =	shalt  }
0x45: {  	_ =	shalt  }
0x46: {  	_ =	shalt  }
0x47: {  	_ =	shalt  }
0x48: {  	_ =	shalt  }
0x49: {  	_ =	shalt  }
0x4a: {  	_ =	shalt  }
0x4b: {  	_ =	shalt  }
0x4c: {  	_ =	shalt  }
0x4d: {  	_ =	shalt  }
0x4e: {  	_ =	shalt  }
0x4f: {  	_ =	shalt  }
0x50: {  	_ =	shalt  }
0x51: {  	_ =	shalt  }
0x52: {  	_ =	shalt  }
0x53: {  	_ =	shalt  }
0x54: {  	_ =	shalt  }
0x55: {  	_ =	shalt  }
0x56: {  	_ =	shalt  }
0x57: {  	_ =	shalt  }
0x58: {  	_ =	shalt  }
0x59: {  	_ =	shalt  }
0x5a: {  	_ =	shalt  }
0x5b: {  	_ =	shalt  }
0x5c: {  	_ =	shalt  }
0x5d: {  	_ =	shalt  }
0x5e: {  	_ =	shalt  }
0x5f: {  	_ =	shalt  }
0x60: {  	_ =	shalt  }
0x61: {  	_ =	shalt  }
0x62: {  	_ =	shalt  }
0x63: {  	_ =	shalt  }
0x64: {  	_ =	shalt  }
0x65: {  	_ =	shalt  }
0x66: {  	_ =	shalt  }
0x67: {  	_ =	shalt  }
0x68: {  	_ =	shalt  }
0x69: {  	_ =	shalt  }
0x6a: {  	_ =	shalt  }
0x6b: {  	_ =	shalt  }
0x6c: {  	_ =	shalt  }
0x6d: {  	_ =	shalt  }
0x6e: {  	_ =	shalt  }
0x6f: {  	_ =	shalt  }
0x70: {  	_ =	shalt  }
0x71: {  	_ =	shalt  }
0x72: {  	_ =	shalt  }
0x73: {  	_ =	shalt  }
0x74: {  	_ =	shalt  }
0x75: {  	_ =	shalt  }
0x76: {  	_ =	shalt  }
0x77: {  	_ =	shalt  }
0x78: {  	_ =	shalt  }
0x79: {  	_ =	shalt  }
0x7a: {  	_ =	shalt  }
0x7b: {  	_ =	shalt  }
0x7c: {  	_ =	shalt  }
0x7d: {  	_ =	shalt  }
0x7e: {  	_ =	shalt  }
0x7f: {  	_ =	shalt  }
0x80: {  	_ =	shalt  }
0x81: {  	_ =	shalt  }
0x82: {  	_ =	shalt  }
0x83: {  	_ =	shalt  }
0x84: {  	_ =	shalt  }
0x85: {  	_ =	shalt  }
0x86: {  	_ =	shalt  }
0x87: {  	_ =	shalt  }
.Lfunc_end0:
.L_simem_size_0:
called_computation_lowered:
.L_overlay_start_0:
0x88: {  	s2 =	sld [smem:$0x3FD9]  }
0x89: {  	s3 =	sld [smem:$0x3FFE];
	_ =	sdelay $0x1  }
0x8a: {  	s1 =	srdreg.scid  }
0x8b: {  	s0 =	sand.u32 $0x1, s1  }
0x8c: {  	s17 =	sshll.u32 s0, $0xA;
	s2 =	sadd.s32 s3, s2  }
0x8d: {  	s2 =	sadd.s32 s2, s17  }
0x8e: {  	[smem:$0x3FC4] =	sst s2  }
0x8f: {  	_ = 	snop  }
0x90: {  	s2 =	sld [smem:$0x3FC9]  }
0x91: {  	s18 =	sld [smem:$0x3FD0];
	(tm) =	ssettm $0x1  }
0x92: {  	s4 =	sld [smem:$0x3FFB];
	_ =	sdelay $0x3  }
0x93: {  	_ =	strace s4  }
0x94: {  	s4 =	sld [smem:$0x3FFC];
	_ =	sdelay $0x3  }
0x95: {  	_ =	strace s4  }
0x96: {  	s4 =	sld [smem:$0x3FFD];
	_ =	sdelay $0x3  }
0x97: {  	_ =	strace s4  }
0x98: {  	_ =	strace $0x8FFFFFFF  }
0x99: {  	s19 =	sld [smem:$0x3FDB];
	_ =	sdelay $0x1  }
0x9a: {  	s5 =	simm.s32 $_scs_section_size  }
0x9b: {  	s6 =	simm.s32 $_size__tile_overlayer_lowered;
	s7 =	simm.s32 $_tile_overlayer_lowered  }
0x9c: {  	s22 =	simm.s32 $0x1BFF;
	s21 =	sshll.u32 s7, $0x1;
	s4 =	sadd.s32 s5, s19  }
0x9d: {  	s8 =	simm.s32 $0x0;
	s20 =	sshll.u32 s6, $0x1;
	s6 =	sadd.s32 s21, s4  }
0x9e: {  	[timem:s8], [sflag:s22] =	dma.local [hbm:s6], s20  }
0x9f: {  	_ =	swait.ge [sflag:s22], s20  }
0xa0: {  	s5 =	ssub.s32 $0x0, s20;
	[sflag:s22] =	ssyncset.done $0x0  }
0xa1: {  	[sflag:s22] =	ssyncadd.s32 s5;
	_ =	sdelay $0x1  }
0xa2: {  	s23 =	simm.s32 $0x1B8B  }
0xa3: {  	_ =	swait.ge [sflag:s23], $0x1  }
0xa4: {  	[sflag:s23] =	ssyncset.done $0x0  }
0xa5: {  	s25 =	simm.s32 $0x1B8E;
	s24 =	sld [smem:$0x3FFE];
	[sflag:s23] =	ssyncadd.s32 $0xFFFFFFFF  }
0xa6: {  	s26 =	simm.s32 $execute0_lowered;
	[smem:$0x3FD2] =	sst s25  }
0xa7: {  	s6 =	sshll.u32 s26, $0x1;
	_ =	strace $0x80000046;
	[dreg:$0x1] =	wrdreg $0xFFFFFFFF  }
0xa8: {  	s28 =	simm.s32 $_size_execute0_lowered;
	s4 =	sadd.s32 s4, s6;
	[dreg:$0x0] =	wrdreg $0x0  }
0xa9: {  	s6 =	sshll.u32 s28, $0x1;
	[dreg:$0x2] =	wrdreg s4  }
0xaa: {  	[dreg:$0x3] =	wrdreg s6  }
0xab: {  	[dreg:$0x4] =	wrdreg $0xC0  }
0xac: {  	_ =	task [dreg:s8], $0x5FFFF  }
0xad: {  	[dreg:$0x1] =	wrdreg $0xFFFFFFFF  }
0xae: {  	[dreg:$0x0] =	wrdreg $0x60  }
0xaf: {  	[dreg:$0x2] =	wrdreg s2  }
0xb0: {  	[dreg:$0x3] =	wrdreg s24  }
0xb1: {  	[dreg:$0x4] =	wrdreg s18  }
0xb2: {  	[dreg:$0x5] =	wrdreg $0xA2000  }
0xb3: {  	[dreg:$0x6] =	wrdreg $0x9  }
0xb4: {  	_ =	task.clear_ibuf [dreg:s8], $0x7FFFF;
	_ =	strace $0x90000046  }
0xb5: {  	s29 =	simm.s32 $0x9;
	_ =	strace $0x80000048  }
0xb6: {  	_ =	swait.ge [sflag:s29], $0x1  }
0xb7: {  	[sflag:s29] =	ssyncadd.s32 $0xFFFFFFFF  }
0xb8: {  	_ =	strace $0x90000048  }
0xb9: {  	_ =	sfence  }
0xba: {  	s30 =	sld [smem:$0x0];
	_ =	sdelay $0x2  }
0xbb: {  	s31 =	sshll.u32 s1, $0xD;
	s1 =	sshrl.u32 s1, $0x2  }
0xbc: {  	s3 =	sand.u32 $0x4000, s31;
	s1 =	sadd.s32 s1, s30  }
0xbd: {  	s0 =	sor.u32 s3, s0;
	s1 =	sshll.u32 s1, $0x11  }
0xbe: {  	s0 =	sor.u32 s1, s0  }
0xbf: {  	s0 =	sadd.s32 $0x8F2B, s0  }
0xc0: {  	[sflag:s0] =	ssyncadd.remote.s32 $0x1  }
0xc1: {  	_ =	sfence.sel $0xFFFF  }
0xc2: {  	[dreg:$0x0] =	wrdreg $0xFFFFFFFF;
	(pc) =	sbr.abs _section_cstart, $3  }
0xc3: {  	[dreg:$0x1] =	wrdreg $0xFFFFFFFF  }
0xc4: {  	_ =	task.clear_ibuf [dreg:s8], $0x2FFFF;
	_ =	strace $0x9FFFFFFF  }
0xc5: {  	(tm) =	ssettm $0x7FFFFFFF  }
tec
execute0_lowered:
.L_overlay_start_1:
0x0: {  	(tag) =	ssettag $0x1  }
0x1: {  	s1 =	rddreg [dreg:$0x0]  }
0x2: {  	s0 =	rddreg [dreg:$0x1]  }
0x3: {  	s2 =	rddreg [dreg:$0x2]  }
0x4: {  	s3 =	rddreg [dreg:$0x3]  }
0x5: {  	s4 =	simm.s32 $0x0;
	s5 =	srdreg.scid;
	s8 =	stileid.u32  }
0x6: {  	s9 =	simm.s32 $0x1860;
	s16 =	simm.s32 $0x100;
	s17 =	simm.s32 $0x180  }
0x7: {  	s28 =	simm.s32 $0x7A00;
	s29 =	simm.s32 $0x6;
	s30 =	simm.s32 $0x7  }
0x8: {  	s31 =	simm.s32 $0x8;
	[smem:$0x7FF] =	sst s4;
	s12 =	sand.u32 $0x1, s5  }
0x9: {  	s6 =	sshll.u32 s8, $0x1;
	s0 =	sadd.s32 $0xA00, s0;
	p0 =	slt.u32 s8, $0x5  }
0xa: {  	s21 =	smul.u32 $0xA00, s8;
	_ =	strace $0x80000047;
	s7 =	ssub.s32 $0x2, s12  }
0xb: {  	[dreg:$0x5] =	wrdreg s0;
	s6 =	sor.u32 s12, s6;
	s23 =	smul.u32 $0x500, s12  }
0xc: {  	s9 =	simm.s32 @!p0 $0x1840;
	p0 =	sne.s32 s8, $0x0;
	s10 =	smul.u32 $0x50, s6  }
0xd: {  	s8 =	simm.s32 $0xB;
	s19 =	sshrl.u32 s7, $0x1;
	s11 =	smul.u32 $0xA, s6  }
0xe: {  	s5 =	sor.u32 s9, s6;
	s0 =	ssub.s32 s7, s19;
	s19 =	simm.s32 $0x50  }
0xf: {  	s20 =	sshrl.u32 s10, $0x3;
	s22 =	sadd.s32 s1, s11;
	s10 =	sadd.s32 s21, s2  }
0x10: {  	s0 =	smax.u32 s0, $0x1;
	[dreg:$0x6] =	wrdreg s22;
	s9 =	sadd.s32 s1, s20  }
0x11: {  	s7 =	sadd.s32 s23, s10;
	[dreg:$0xa] =	wrdreg s0;
	s0 =	sshrl.u32 @!p0 s3, $0x3  }
0x12: {  	s20 =	simm.s32 $0x200;
	s24 =	sadd.s32 $0x140, s9;
	[dreg:$0xc] =	wrdreg s0  }
.Ltmp0:
0x13: {  	s25 =	sadd.s32 $0x280, s9;
	[dreg:$0x7] =	wrdreg s24;
	(pc) =	sbr.rel .LBB2_1-.Ltmp0, $4  }
0x14: {  	s22 =	simm.s32 $0x2A00;
	s9 =	sadd.s32 $0x3C0, s9;
	[dreg:$0x8] =	wrdreg s25  }
0x15: {  	s23 =	simm.s32 $0x3;
	s26 =	sadd.s32 $0xA000, s7;
	[dreg:$0x9] =	wrdreg s9  }
0x16: {  	s10 =	simm.s32 $0x0;
	[dreg:$0xb] =	wrdreg s26;
	s24 =	simm.s32 $0x5200  }
0x17: {  	s25 =	simm.s32 $0x5;
	s26 =	simm.s32 $0x4;
	s9 =	simm.s32 $0xC  }
.LBB2_4:
0x18: {  	s0 =	simm.s32 $0x9  }
0x19: {  	_ =	swait.ge [sflag:s0], $0x2800  }
0x1a: {  	[sflag:s0] =	ssyncset.done $0x0  }
0x1b: {  	s18 =	simm.s32 $0xA;
	[sflag:s0] =	ssyncadd.s32 $0xFFFFD800  }
0x1c: {  	_ =	swait.ge [sflag:s18], $0x2800  }
0x1d: {  	[sflag:s18] =	ssyncset.done $0x0  }
0x1e: {  	[sflag:s18] =	ssyncadd.s32 $0xFFFFD800  }
0x1f: {  	_ =	swait.ge [sflag:s8], $0x2800  }
0x20: {  	[sflag:s8] =	ssyncset.done $0x0  }
0x21: {  	[sflag:s8] =	ssyncadd.s32 $0xFFFFD800  }
0x22: {  	_ =	swait.ge [sflag:s9], $0x2800  }
0x23: {  	s10 =	sadd.s32 $0x1, s10;
	s21 =	rddreg [dreg:$0xa]  }
0x24: {  	p1 =	sne.s32 s10, s21  }
.Ltmp1:
0x25: {  	_ = 	snop;
	(pc) =	sbr.rel @!p1 .LBB2_5-.Ltmp1, $3  }
0x26: {  	_ =	sdelay $0x1  }
0x27: {  	[sflag:s9] =	ssyncset.done $0x0  }
0x28: {  	[sflag:s9] =	ssyncadd.s32 $0xFFFFD800  }
.LBB2_1:
0x29: {  	s0 =	rddreg [dreg:$0x5]  }
0x2a: {  	s11 =	simm.s32 @!p0 $0x1C0D;
	s7 =	rddreg [dreg:$0xc]  }
0x2b: {  	[spmem:s7], [sflag:s11] =	dma.local @!p0 [hbm:s0], $0x570  }
0x2c: {  	s11 =	simm.s32 @!p0 $0xD  }
0x2d: {  	_ =	swait.ge @!p0 [sflag:s11], $0x570  }
0x2e: {  	[sflag:s11] =	ssyncset.done @!p0 $0x0  }
0x2f: {  	[sflag:s11] =	ssyncadd.s32 @!p0 $0xFFFFFA90  }
0x30: {  	[bflag:$0x0] =	sbarrier.arrive $0xFFFF  }
0x31: {  	s11 =	rddreg [dreg:$0x6]  }
0x32: {  	[tilespmem:s4], [sflag:$0x1] =	stream.linear.gather [hbm4b:s11+s4], $0x50, $0x38;
	[tilespmem:$0xA4B8] =	vst v63  }
0x33: {  	s13 =	simm.s32 $0x80;
	s12 =	rddreg [dreg:$0x7]  }
0x34: {  	[tilespmem:s13], [sflag:$0x2] =	stream.linear.gather [hbm4b:s12+s4], $0x50, $0x38;
	[tilespmem:$0xA4B8] =	vst v63  }
0x35: {  	s14 =	rddreg [dreg:$0x8]  }
0x36: {  	[tilespmem:s16], [sflag:$0x3] =	stream.linear.gather [hbm4b:s14+s4], $0x50, $0x38;
	[tilespmem:$0xA4B8] =	vst v63  }
0x37: {  	s18 =	simm.s32 $0x1;
	s15 =	rddreg [dreg:$0x9]  }
0x38: {  	[tilespmem:s17], [sflag:$0x4] =	stream.linear.gather [hbm4b:s15+s4], $0x50, $0x38;
	[tilespmem:$0xA4B8] =	vst v63  }
0x39: {  	_ =	swait.ge [sflag:s18], $0x50  }
0x3a: {  	[sflag:s18] =	ssyncset.done $0x0  }
0x3b: {  	s21 =	simm.s32 $0x2;
	[sflag:s18] =	ssyncadd.s32 $0xFFFFFFB0  }
0x3c: {  	[tilespmem:s20], [sflag:$0x5] =	stream.indirect.gather [spmem:s3], $0x80, s4, s19, $0xb8;
	[tilespmem:$0xA4B8] =	vst v63  }
0x3d: {  	_ =	swait.ge [sflag:s21], $0x50  }
0x3e: {  	[sflag:s21] =	ssyncset.done $0x0  }
0x3f: {  	[sflag:s21] =	ssyncadd.s32 $0xFFFFFFB0  }
0x40: {  	[tilespmem:s22], [sflag:$0x6] =	stream.indirect.gather [spmem:s3], $0x80, s13, s19, $0xb8;
	[tilespmem:$0xA4B8] =	vst v63  }
0x41: {  	s15 =	simm.s32 $0x0;
	s13 =	rddreg [dreg:$0xb]  }
.LBB2_2:
0x42: {  	p1 =	seq.s32 s15, $0x0  }
0x43: {  	s11 =	simm.s32 @!p1 $0xB  }
0x44: {  	_ =	swait.ge @!p1 [sflag:s11], $0x2800  }
0x45: {  	[sflag:s11] =	ssyncset.done @!p1 $0x0  }
0x46: {  	[sflag:s11] =	ssyncadd.s32 @!p1 $0xFFFFD800;
	p1 =	seq.s32 s15, $0x1800  }
0x47: {  	_ =	swait.ge [sflag:s23], $0x50;
	s14 =	sadd.s32 @!p1 s15, s6  }
0x48: {  	[sflag:s23] =	ssyncset.done $0x0;
	s11 =	sadd.s32 @!p1 $0x80, s14  }
0x49: {  	[sflag:s23] =	ssyncadd.s32 $0xFFFFFFB0;
	p2 =	slt.s32 @!p1 s11, s5  }
0x4a: {  	[tilespmem:s24], [sflag:$0x7] =	stream.indirect.gather [spmem:s3], $0x80, s16, s19, $0xb8;
	[tilespmem:$0xA4B8] =	vst v63  }
0x4b: {  	p2 =	por !p2, p1;
	_ =	swait.ge [sflag:s25], $0x2800  }
0x4c: {  	s12 =	sadd.s32 $0xFFFF6000, s13;
	s11 =	smov.u32 @p2 s5;
	[sflag:s25] =	ssyncset.done $0x0  }
0x4d: {  	p2 =	seq.s32 @!p1 s15, $0x0;
	s11 =	smul.u32 @!p1 $0xA, s11;
	[sflag:s25] =	ssyncadd.s32 $0xFFFFD800  }
0x4e: {  	[hbm4b:s12+s4] =	stream.linear.scatter [tilespmem:s20], [sflag:$0x9], $0x2800, $0x38;
	[tilespmem:$0xA4B8] =	vst v63  }
0x4f: {  	p2 =	por p1, !p2;
	s11 =	sadd.s32 @!p1 s1, s11;
	s12 =	simm.s32 @!p1 $0x0  }
0x50: {  	[tilespmem:s12], [sflag:$0x1] =	stream.linear.gather @!p1 [hbm4b:s11+s12], $0x50, $0x38;
	[tilespmem:$0xA4B8] =	vst v63  }
0x51: {  	_ =	swait.ge @p2 [sflag:s9], $0x2800  }
0x52: {  	[sflag:s9] =	ssyncset.done @p2 $0x0  }
0x53: {  	[sflag:s9] =	ssyncadd.s32 @p2 $0xFFFFD800  }
0x54: {  	_ =	swait.ge [sflag:s26], $0x50  }
0x55: {  	s11 =	sadd.s32 @!p1 $0xA0, s14;
	[sflag:s26] =	ssyncset.done $0x0  }
0x56: {  	p2 =	slt.s32 @!p1 s11, s5;
	[sflag:s26] =	ssyncadd.s32 $0xFFFFFFB0  }
0x57: {  	[tilespmem:s28], [sflag:$0x8] =	stream.indirect.gather [spmem:s3], $0x80, s17, s19, $0xb8;
	[tilespmem:$0xA4B8] =	vst v63  }
0x58: {  	p2 =	por !p2, p1;
	_ =	swait.ge [sflag:s29], $0x2800  }
0x59: {  	s11 =	smov.u32 @p2 s5;
	[sflag:s29] =	ssyncset.done $0x0  }
0x5a: {  	s11 =	smul.u32 @!p1 $0xA, s11;
	[sflag:s29] =	ssyncadd.s32 $0xFFFFD800  }
0x5b: {  	[hbm4b:s13+s4] =	stream.linear.scatter [tilespmem:s22], [sflag:$0xA], $0x2800, $0x38;
	[tilespmem:$0xA4B8] =	vst v63  }
0x5c: {  	s18 =	simm.s32 @!p1 $0x80;
	s11 =	sadd.s32 @!p1 s1, s11  }
0x5d: {  	[tilespmem:s18], [sflag:$0x2] =	stream.linear.gather @!p1 [hbm4b:s11+s12], $0x50, $0x38;
	[tilespmem:$0xA4B8] =	vst v63  }
0x5e: {  	s11 =	simm.s32 @!p1 $0x9  }
0x5f: {  	_ =	swait.ge @!p1 [sflag:s11], $0x2800  }
0x60: {  	[sflag:s11] =	ssyncset.done @!p1 $0x0  }
0x61: {  	[sflag:s11] =	ssyncadd.s32 @!p1 $0xFFFFD800;
	s11 =	simm.s32 @!p1 $0x1  }
0x62: {  	_ =	swait.ge @!p1 [sflag:s11], $0x50  }
0x63: {  	[sflag:s11] =	ssyncset.done @!p1 $0x0  }
0x64: {  	s21 =	simm.s32 @!p1 $0x50;
	[sflag:s11] =	ssyncadd.s32 @!p1 $0xFFFFFFB0;
	s11 =	simm.s32 @!p1 $0x200  }
0x65: {  	[tilespmem:s11], [sflag:$0x5] =	stream.indirect.gather @!p1 [spmem:s3], $0x80, s12, s21, $0xb8;
	[tilespmem:$0xA4B8] =	vst v63  }
0x66: {  	s11 =	sadd.s32 s15, s6  }
0x67: {  	s0 =	sadd.s32 $0x40, s11  }
0x68: {  	s7 =	smov.u32 s5;
	s14 =	sadd.s32 @!p1 $0xC0, s14;
	p2 =	slt.s32 s0, s5  }
0x69: {  	s7 =	smov.u32 @p2 s0;
	p2 =	slt.s32 @!p1 s14, s5  }
0x6a: {  	_ =	swait.ge [sflag:s30], $0x2800;
	s0 =	smul.u32 $0x500, s7;
	p2 =	por !p2, p1  }
0x6b: {  	[sflag:s30] =	ssyncset.done $0x0;
	s14 =	smov.u32 @p2 s5  }
0x6c: {  	[sflag:s30] =	ssyncadd.s32 $0xFFFFD800;
	s0 =	sadd.s32 s2, s0;
	s7 =	smul.u32 @!p1 $0xA, s14  }
0x6d: {  	[hbm4b:s0+s4] =	stream.linear.scatter [tilespmem:s24], [sflag:$0xB], $0x2800, $0x38;
	[tilespmem:$0xA4B8] =	vst v63  }
0x6e: {  	s0 =	sadd.s32 @!p1 s1, s7;
	s7 =	simm.s32 @!p1 $0x100  }
0x6f: {  	[tilespmem:s7], [sflag:$0x3] =	stream.linear.gather @!p1 [hbm4b:s0+s12], $0x50, $0x38;
	[tilespmem:$0xA4B8] =	vst v63  }
0x70: {  	s0 =	simm.s32 @!p1 $0xA  }
0x71: {  	_ =	swait.ge @!p1 [sflag:s0], $0x2800  }
0x72: {  	[sflag:s0] =	ssyncset.done @!p1 $0x0  }
0x73: {  	[sflag:s0] =	ssyncadd.s32 @!p1 $0xFFFFD800;
	s0 =	simm.s32 @!p1 $0x2  }
0x74: {  	_ =	swait.ge @!p1 [sflag:s0], $0x50  }
0x75: {  	[sflag:s0] =	ssyncset.done @!p1 $0x0  }
0x76: {  	[sflag:s0] =	ssyncadd.s32 @!p1 $0xFFFFFFB0;
	s0 =	simm.s32 @!p1 $0x2A00  }
0x77: {  	[tilespmem:s0], [sflag:$0x6] =	stream.indirect.gather @!p1 [spmem:s3], $0x80, s18, s21, $0xb8;
	[tilespmem:$0xA4B8] =	vst v63  }
0x78: {  	s0 =	sadd.s32 $0x60, s11  }
0x79: {  	s7 =	smov.u32 s5;
	p2 =	slt.s32 s0, s5  }
.Ltmp2:
0x7a: {  	s7 =	smov.u32 @p2 s0;
	(pc) =	sbr.rel @p1 .LBB2_4-.Ltmp2, $4  }
0x7b: {  	_ =	swait.ge [sflag:s31], $0x2800;
	s0 =	smul.u32 $0x500, s7  }
0x7c: {  	[sflag:s31] =	ssyncset.done $0x0  }
0x7d: {  	[sflag:s31] =	ssyncadd.s32 $0xFFFFD800;
	s0 =	sadd.s32 s2, s0  }
0x7e: {  	[hbm4b:s0+s4] =	stream.linear.scatter [tilespmem:s28], [sflag:$0xC], $0x2800, $0x38;
	[tilespmem:$0xA4B8] =	vst v63  }
0x7f: {  	s0 =	sadd.s32 $0xE0, s11  }
0x80: {  	s7 =	smov.u32 s5;
	p1 =	slt.s32 s0, s5  }
.Ltmp3:
0x81: {  	s7 =	smov.u32 @p1 s0;
	(pc) =	sbr.rel .LBB2_2-.Ltmp3, $3  }
0x82: {  	s0 =	smul.u32 $0xA, s7;
	_ =	sdelay $0x1  }
0x83: {  	s15 =	sadd.s32 $0x80, s15;
	s13 =	sadd.s32 $0x28000, s13;
	s0 =	sadd.s32 s1, s0  }
0x84: {  	[tilespmem:s17], [sflag:$0x4] =	stream.linear.gather [hbm4b:s0+s4], $0x50, $0x38;
	[tilespmem:$0xA4B8] =	vst v63  }
.LBB2_5:
0x85: {  	_ =	sfence.sel $0x180000  }
0x86: {  	[bflag:$0x0] =	sbarrier.arrive $0xFFFF  }
0x87: {  	_ =	strace $0x90000047  }
0x88: {  	[bflag:$0x2] =	sbarrier.arrive $0xFFFF  }
0x89: {  	s0 =	rddreg [dreg:$0x4]  }
0x8a: {  	s0 =	sadd.s32 @!p0 $0x100000, s0  }
0x8b: {  	[sflag:s0] =	ssyncadd.tile.s32 @!p0 $0x1;
	_ =	shalt  }
.Lfunc_end2:
_tile_overlayer_lowered:
.L_overlay_start_2:
0x8c: {  	(tag) =	ssettag $0x2  }
0x8d: {  	s0 =	rddreg [dreg:$0x0];
	s2 =	stileid.u32  }
0x8e: {  	s1 =	rddreg [dreg:$0x1];
	p0 =	sne.s32 s2, $0x0  }
0x8f: {  	s3 =	rddreg [dreg:$0x2];
	[bflag:$0x3] =	sbarrier.arrive $0xFFFF;
	s2 =	simm.s32 @!p0 $0x1C0D  }
0x90: {  	[timem:s3], [sflag:s2] =	dma.local @!p0 [hbm:s0], s1  }
0x91: {  	s0 =	simm.s32 @!p0 $0xD  }
0x92: {  	_ =	swait.ge @!p0 [sflag:s0], s1  }
0x93: {  	s1 =	ssub.s32 @!p0 $0x0, s1;
	[sflag:s0] =	ssyncset.done @!p0 $0x0  }
0x94: {  	[sflag:s0] =	ssyncadd.s32 @!p0 s1  }
0x95: {  	[bflag:$0x3] =	sbarrier.arrive $0xFFFF  }
0x96: {  	_ =	shalt  }

</sc_bundles>
